<compile_context>
chip_gen: v7x
topology: tpu7x:2x2x1
jax: 0.10.2.dev20260603
libtpu: 0.0.44.dev20260713+nightly
codegen_flags: <defaults>
</compile_context>

<pallas_src>
import jax
import jax.numpy as jnp
from jax import lax
from jax.experimental import pallas as pl
from jax.experimental.pallas import tpu as pltpu
from jax.experimental.pallas import tpu_sc as plsc

_NW = 32
_SEG = 128
_NPAD = 10240


def _k1_body(h_ref, wc1_ref, p_ref, q_ref):
    hb = h_ref[...]
    p_ref[...] = jnp.dot(hb, wc1_ref[0:128, :], preferred_element_type=jnp.float32)
    q_ref[...] = jnp.dot(hb, wc1_ref[128:256, :], preferred_element_type=jnp.float32)


def _project_pq(h, wc1):
    n, hdim = h.shape
    bn = 2000
    return pl.pallas_call(
        _k1_body,
        grid=(n // bn,),
        in_specs=[
            pl.BlockSpec((bn, hdim), lambda i: (i, 0)),
            pl.BlockSpec((3 * hdim, hdim), lambda i: (0, 0)),
        ],
        out_specs=[
            pl.BlockSpec((bn, hdim), lambda i: (i, 0)),
            pl.BlockSpec((bn, hdim), lambda i: (i, 0)),
        ],
        out_shape=[
            jax.ShapeDtypeStruct((n, hdim), jnp.float32),
            jax.ShapeDtypeStruct((n, hdim), jnp.float32),
        ],
    )(h, wc1)


def _gather_pq(p, q, ii3, e):
    n, hw = p.shape
    segs_per_chunk = ii3.shape[2]
    ch = segs_per_chunk * _SEG
    nch = e // ch
    iters = (nch + _NW - 1) // _NW

    mesh = plsc.VectorSubcoreMesh(core_axis_name="c", subcore_axis_name="s", num_cores=2, num_subcores=16)

    def body(p_hbm, q_hbm, ij_hbm, gp_hbm, gq_hbm,
             idxab, rowsa, rowsb, semg, semw):
        c = lax.axis_index("c")
        s = lax.axis_index("s")
        wid = s * 2 + c

        @pl.loop(0, iters)
        def _chunk(k):
            chunk = wid + _NW * k

            @pl.when(chunk < nch)
            def _():
                base_e = chunk * ch
                @pl.when(k > 0)
                def _():
                    prev = (chunk - _NW) * ch
                    pltpu.make_async_copy(
                        rowsa, gp_hbm.at[pl.ds(prev, ch)], semw).wait()
                    pltpu.make_async_copy(
                        rowsb, gq_hbm.at[pl.ds(prev, ch)], semw).wait()

                pltpu.sync_copy(ij_hbm.at[chunk], idxab)
                ga = [pltpu.async_copy(p_hbm.at[idxab.at[0, j]],
                                       rowsa.at[pl.ds(j * _SEG, _SEG)], semg)
                      for j in range(segs_per_chunk)]
                gb = [pltpu.async_copy(q_hbm.at[idxab.at[1, j]],
                                       rowsb.at[pl.ds(j * _SEG, _SEG)], semg)
                      for j in range(segs_per_chunk)]
                for d in ga:
                    d.wait()
                pltpu.async_copy(rowsa, gp_hbm.at[pl.ds(base_e, ch)], semw)
                for d in gb:
                    d.wait()
                pltpu.async_copy(rowsb, gq_hbm.at[pl.ds(base_e, ch)], semw)

        nfull = nch // _NW
        last = jnp.where(wid < nch - nfull * _NW, wid + nfull * _NW,
                         wid + (nfull - 1) * _NW) * ch
        pltpu.make_async_copy(rowsa, gp_hbm.at[pl.ds(last, ch)], semw).wait()
        pltpu.make_async_copy(rowsb, gq_hbm.at[pl.ds(last, ch)], semw).wait()

    k = pl.kernel(
        body,
        out_type=[
            jax.ShapeDtypeStruct((e, hw), jnp.float32),
            jax.ShapeDtypeStruct((e, hw), jnp.float32),
        ],
        mesh=mesh,
        scratch_types=[
            pltpu.VMEM((2, segs_per_chunk, _SEG), jnp.int32),
            pltpu.VMEM((ch, hw), jnp.float32),
            pltpu.VMEM((ch, hw), jnp.float32),
            pltpu.SemaphoreType.DMA,
            pltpu.SemaphoreType.DMA,
        ],
    )
    return k(p, q, ii3)


def _k3_body(gp_ref, gq_ref, ea_ref, wc1c_ref, bc1_ref, wc2_ref,
             bc2_ref, wc3_ref, bc3_ref, out_ref):
    ea = ea_ref[...].astype(jnp.bfloat16)
    pre = (gp_ref[...] + gq_ref[...]
           + jnp.dot(ea, wc1c_ref[...], preferred_element_type=jnp.float32)
           + bc1_ref[...])
    x1 = (pre * jax.nn.sigmoid(pre)).astype(jnp.bfloat16)
    pre2 = jnp.dot(x1, wc2_ref[...], preferred_element_type=jnp.float32) + bc2_ref[...]
    x2 = (pre2 * jax.nn.sigmoid(pre2)).astype(jnp.bfloat16)
    phi_t = lax.dot_general(
        wc3_ref[...], x2, (((0,), (1,)), ((), ())),
        preferred_element_type=jnp.float32) + bc3_ref[...]
    out_ref[...] = phi_t.reshape(out_ref.shape)


def _edge_mlp(gp, gq, edge_attr, wc1c, bc1, wc2, bc2, wc3, bc3):
    e, hdim = gp.shape
    be = 2000
    return pl.pallas_call(
        _k3_body,
        grid=(e // be,),
        in_specs=[
            pl.BlockSpec((be, hdim), lambda i: (i, 0)),
            pl.BlockSpec((be, hdim), lambda i: (i, 0)),
            pl.BlockSpec((be, hdim), lambda i: (i, 0)),
            pl.BlockSpec((hdim, hdim), lambda i: (0, 0)),
            pl.BlockSpec((1, hdim), lambda i: (0, 0)),
            pl.BlockSpec((hdim, hdim), lambda i: (0, 0)),
            pl.BlockSpec((1, hdim), lambda i: (0, 0)),
            pl.BlockSpec((hdim, 1), lambda i: (0, 0)),
            pl.BlockSpec((1, 1), lambda i: (0, 0)),
        ],
        out_specs=pl.BlockSpec((1, 1, be), lambda i: (i, 0, 0)),
        out_shape=jax.ShapeDtypeStruct((e // be, 1, be), jnp.float32),
    )(gp, gq, edge_attr, wc1c, bc1, wc2, bc2, wc3, bc3)


def _scatter_td(phi1, cdx, cdy, cdz, dd, ii, zeros_np, n, e):
    ew = e // _NW
    ch = 2000
    nchunks = ew // ch
    comps = 4

    mesh = plsc.VectorSubcoreMesh(core_axis_name="c", subcore_axis_name="s", num_cores=2, num_subcores=16)

    def body(phi_hbm, cx_hbm, cy_hbm, cz_hbm, dd_hbm, ii_hbm, z_hbm, out_hbm,
             idxb, pb, vbx, vby, vbz, vbd, accx, accy, accz, accd, sem):
        c = lax.axis_index("c")
        s = lax.axis_index("s")
        wid = s * 2 + c
        base_w = wid * ew
        accs = (accx, accy, accz, accd)
        vbs = (vbx, vby, vbz, vbd)
        srcs = (cx_hbm, cy_hbm, cz_hbm, dd_hbm)

        for a in accs:
            pltpu.sync_copy(z_hbm, a)

        @pl.loop(0, nchunks)
        def _chunk(k):
            base = base_w + k * ch
            descs = [pltpu.async_copy(ii_hbm.at[pl.ds(base, ch)], idxb, sem),
                     pltpu.async_copy(phi_hbm.at[pl.ds(base, ch)], pb, sem)]
            descs += [
                pltpu.async_copy(srcs[ci].at[pl.ds(base, ch)], vbs[ci], sem)
                for ci in range(comps)
            ]
            for d in descs:
                d.wait()

            @pl.loop(0, ch // 16)
            def _vec(kk):
                sl = pl.ds(kk * 16, 16)
                iv = idxb[sl]
                pv = pb[sl]
                plsc.addupdate_scatter(accx, [iv], vbx[sl] * pv)
                plsc.addupdate_scatter(accy, [iv], vby[sl] * pv)
                plsc.addupdate_scatter(accz, [iv], vbz[sl] * pv)
                plsc.addupdate_scatter(accd, [iv], vbd[sl])

        for ci in range(comps):
            pltpu.sync_copy(
                accs[ci],
                out_hbm.at[pl.ds(wid * (comps * _NPAD) + ci * _NPAD, _NPAD)])

    k = pl.kernel(
        body,
        out_type=jax.ShapeDtypeStruct((_NW * comps * _NPAD,), jnp.float32),
        mesh=mesh,
        compiler_params=pltpu.CompilerParams(needs_layout_passes=False),
        scratch_types=[
            pltpu.VMEM((ch,), jnp.int32),
            pltpu.VMEM((ch,), jnp.float32),
        ] + [pltpu.VMEM((ch,), jnp.float32) for _ in range(comps)]
          + [pltpu.VMEM((_NPAD,), jnp.float32) for _ in range(comps)]
          + [pltpu.SemaphoreType.DMA],
    )
    return k(phi1, cdx, cdy, cdz, dd, ii, zeros_np)


def _k4b_body(par_ref, out_ref):
    out_ref[...] = jnp.sum(par_ref[...], axis=0, keepdims=True)


def _reduce_partials(par2d):
    w, m = par2d.shape
    return pl.pallas_call(
        _k4b_body,
        grid=(1,),
        in_specs=[pl.BlockSpec((w, m), lambda i: (0, 0))],
        out_specs=pl.BlockSpec((1, m), lambda i: (0, 0)),
        out_shape=jax.ShapeDtypeStruct((1, m), jnp.float32),
    )(par2d)


def _k5_body(par_ref, pos_ref, h_ref, w1_ref, b1_ref, w2_ref, b2_ref,
             pos_out_ref, h_out_ref):
    agg = par_ref[...]
    pos_out_ref[...] = pos_ref[...] + agg[:, 0:3]
    d = agg[:, 3:4]
    y1p = d * w1_ref[...] + b1_ref[...]
    y1 = y1p * jax.nn.sigmoid(y1p)
    y = jnp.dot(y1, w2_ref[...], preferred_element_type=jnp.float32) + b2_ref[...]
    h_out_ref[...] = h_ref[...] + y


def _node_update(agg4, pos, h, w1, b1, w2, b2):
    n, hdim = h.shape
    bn = 2000
    return pl.pallas_call(
        _k5_body,
        grid=(n // bn,),
        in_specs=[
            pl.BlockSpec((bn, 4), lambda i: (i, 0)),
            pl.BlockSpec((bn, 3), lambda i: (i, 0)),
            pl.BlockSpec((bn, hdim), lambda i: (i, 0)),
            pl.BlockSpec((1, 16), lambda i: (0, 0)),
            pl.BlockSpec((1, 16), lambda i: (0, 0)),
            pl.BlockSpec((16, hdim), lambda i: (0, 0)),
            pl.BlockSpec((1, hdim), lambda i: (0, 0)),
        ],
        out_specs=[
            pl.BlockSpec((bn, 3), lambda i: (i, 0)),
            pl.BlockSpec((bn, hdim), lambda i: (i, 0)),
        ],
        out_shape=[
            jax.ShapeDtypeStruct((n, 3), jnp.float32),
            jax.ShapeDtypeStruct((n, hdim), jnp.float32),
        ],
    )(agg4, pos, h, w1, b1, w2, b2)


def kernel(h, pos, edge_index, coord_diff, distances, edge_attr,
           W1, b1, W2, b2, Wc1, bc1, Wc2, bc2, Wc3, bc3):
    n, hdim = h.shape
    e = edge_attr.shape[0]

    ii = edge_index[0]
    jj = edge_index[1]
    ii3g = ii.reshape(e // (2 * _SEG), 2, _SEG)
    jj3g = jj.reshape(e // (2 * _SEG), 2, _SEG)
    ij4 = jnp.stack([ii3g, jj3g], axis=1)

    p, q = _project_pq(h, Wc1)
    gp, gq = _gather_pq(p, q, ij4, e)
    phi3 = _edge_mlp(
        gp, gq, edge_attr,
        Wc1[2 * hdim:].astype(jnp.bfloat16), bc1.reshape(1, hdim),
        Wc2.astype(jnp.bfloat16), bc2.reshape(1, hdim),
        Wc3.astype(jnp.bfloat16), bc3.reshape(1, 1),
    )
    phi1 = phi3.reshape(e)
    cdx, cdy, cdz = coord_diff[:, 0], coord_diff[:, 1], coord_diff[:, 2]
    dd = distances.reshape(e)
    zeros_np = jnp.zeros((_NPAD,), jnp.float32)
    partials = _scatter_td(phi1, cdx, cdy, cdz, dd, ii, zeros_np, n, e)
    summed = _reduce_partials(partials.reshape(_NW, 4 * _NPAD))
    agg4 = summed.reshape(4, _NPAD)[:, :n].T
    pos_out, h_out = _node_update(
        agg4, pos, h,
        W1, b1.reshape(1, 16), W2, b2.reshape(1, hdim),
    )
    return (pos_out, h_out)

# --- scband reference (transcript-rebuilt; emitter-appended) ---
"""Pipeline reference for scband-equivariant-update-35150012351086 (READ-ONLY COPY).

The authoritative reference and input builder live on the scoring server;
editing this copy changes nothing except your own understanding.
"""

import jax, jax.numpy as jnp
import numpy as np

N = 10000
E = 320000
H = 128


def _xavier(key, shape, gain=1.0):
    fan_in, fan_out = shape[0], shape[1]
    a = gain * np.sqrt(6.0 / (fan_in + fan_out))
    return jax.random.uniform(key, shape, jnp.float32, -a, a)


def setup_inputs(seed: int = 0) -> dict:
    key = jax.random.key(seed)
    ks = jax.random.split(key, 20)
    h = jax.random.normal(ks[0], (N, H), jnp.float32)
    pos = jax.random.normal(ks[1], (N, 3), jnp.float32)
    edge_index = jax.random.randint(ks[2], (2, E), 0, N)
    coord_diff = jax.random.normal(ks[3], (E, 3), jnp.float32)
    distances = jax.random.uniform(ks[4], (E, 1), jnp.float32)
    edge_attr = jax.random.normal(ks[5], (E, H), jnp.float32)
    # distance_embedding MLP: 1 -> 16 -> H
    W1 = _xavier(ks[6], (1, 16))
    b1 = jax.random.uniform(ks[7], (16,), jnp.float32, -1.0, 1.0)
    W2 = _xavier(ks[8], (16, H))
    b2 = jax.random.uniform(ks[9], (H,), jnp.float32, -1.0, 1.0)
    # coord_mlp: 3H -> H -> H -> 1 (last layer xavier gain 0.001)
    Wc1 = _xavier(ks[10], (3 * H, H))
    bc1 = jnp.zeros((H,), jnp.float32)
    Wc2 = _xavier(ks[11], (H, H))
    bc2 = jnp.zeros((H,), jnp.float32)
    Wc3 = _xavier(ks[12], (H, 1), gain=0.001)
    bc3 = jnp.zeros((1,), jnp.float32)
    return {"h": h, "pos": pos, "edge_index": edge_index, "coord_diff": coord_diff,
            "distances": distances, "edge_attr": edge_attr,
            "W1": W1, "b1": b1, "W2": W2, "b2": b2,
            "Wc1": Wc1, "bc1": bc1, "Wc2": Wc2, "bc2": bc2, "Wc3": Wc3, "bc3": bc3}


def reference(h, pos, edge_index, coord_diff, distances, edge_attr,
              W1, b1, W2, b2, Wc1, bc1, Wc2, bc2, Wc3, bc3):
    normalization_factor = 1.0
    ii = edge_index[0]
    jj = edge_index[1]
    # coord_model
    inp = jnp.concatenate([h[ii], h[jj], edge_attr], axis=1)
    x = jax.nn.silu(inp @ Wc1 + bc1)
    x = jax.nn.silu(x @ Wc2 + bc2)
    phi = x @ Wc3 + bc3  # [E, 1]
    trans = coord_diff * phi
    agg = jax.ops.segment_sum(trans, ii, num_segments=N) / normalization_factor
    pos_out = pos + agg
    # dist2h_model
    agg_d = jax.ops.segment_sum(distances, ii, num_segments=N) / normalization_factor
    y = jax.nn.silu(agg_d @ W1 + b1)
    y = y @ W2 + b2
    h_out = h + y
    return (pos_out, h_out)

if __name__ == "__main__":
    import jax
    _d = setup_inputs()
    print(jax.jit(kernel)(*tuple(_d.values())))

</pallas_src>

<mosaic_0001>
#map = affine_map<(d0, d1) -> (0)>
module attributes {stable_mosaic.version = 14 : i64} {
  func.func @body(%arg0: i32, %arg1: i32, %arg2: memref<320000xf32, #tpu.memory_space<hbm>>, %arg3: memref<320000xf32, #tpu.memory_space<hbm>>, %arg4: memref<320000xf32, #tpu.memory_space<hbm>>, %arg5: memref<320000xf32, #tpu.memory_space<hbm>>, %arg6: memref<320000xf32, #tpu.memory_space<hbm>>, %arg7: memref<320000xi32, #tpu.memory_space<hbm>>, %arg8: memref<10240xf32, #tpu.memory_space<hbm>>, %arg9: memref<1310720xf32, #tpu.memory_space<hbm>>, %arg10: memref<2000xi32, #tpu.memory_space<vmem>>, %arg11: memref<2000xf32, #tpu.memory_space<vmem>>, %arg12: memref<2000xf32, #tpu.memory_space<vmem>>, %arg13: memref<2000xf32, #tpu.memory_space<vmem>>, %arg14: memref<2000xf32, #tpu.memory_space<vmem>>, %arg15: memref<2000xf32, #tpu.memory_space<vmem>>, %arg16: memref<10240xf32, #tpu.memory_space<vmem>>, %arg17: memref<10240xf32, #tpu.memory_space<vmem>>, %arg18: memref<10240xf32, #tpu.memory_space<vmem>>, %arg19: memref<10240xf32, #tpu.memory_space<vmem>>, %arg20: memref<!tpu.dma_semaphore, #tpu.memory_space<semaphore_mem>>) attributes {dimension_semantics = [#tpu.dimension_semantics<core_parallel>, #tpu.dimension_semantics<subcore_parallel>], iteration_bounds = array<i64: 2, 16>, scalar_prefetch = 0 : i64, scratch_operands = 11 : i64, tpu.core_type = #tpu.core_type<sc_vector_subcore>, window_params = [{transform_indices = #map}, {transform_indices = #map}, {transform_indices = #map}, {transform_indices = #map}, {transform_indices = #map}, {transform_indices = #map}, {transform_indices = #map}, {transform_indices = #map}]} {
    %mul3A = arith.constant 2 : i32
    %mul3A_0 = arith.muli %arg1, %mul3A : i32
    %add3A = arith.addi %mul3A_0, %arg0 : i32
    %mul3A_1 = arith.constant 10000 : i32
    %mul3A_2 = arith.muli %add3A, %mul3A_1 : i32
    "tpu.region"() ({
      %run_scoped3A = tpu.sem_alloc : memref<!tpu.dma_semaphore, #tpu.memory_space<semaphore_mem>>
      tpu.enqueue_dma source(%arg8 : memref<10240xf32, #tpu.memory_space<hbm>>) target(%arg16 : memref<10240xf32, #tpu.memory_space<vmem>>) target_semaphore(%run_scoped3A : memref<!tpu.dma_semaphore, #tpu.memory_space<semaphore_mem>>)
      tpu.wait_dma2 semaphore(%run_scoped3A : memref<!tpu.dma_semaphore, #tpu.memory_space<semaphore_mem>>) src(%arg8 : memref<10240xf32, #tpu.memory_space<hbm>>) dst(%arg16 : memref<10240xf32, #tpu.memory_space<vmem>>)
      tpu.yield
    }) : () -> ()
    "tpu.region"() ({
      %run_scoped3A = tpu.sem_alloc : memref<!tpu.dma_semaphore, #tpu.memory_space<semaphore_mem>>
      tpu.enqueue_dma source(%arg8 : memref<10240xf32, #tpu.memory_space<hbm>>) target(%arg17 : memref<10240xf32, #tpu.memory_space<vmem>>) target_semaphore(%run_scoped3A : memref<!tpu.dma_semaphore, #tpu.memory_space<semaphore_mem>>)
      tpu.wait_dma2 semaphore(%run_scoped3A : memref<!tpu.dma_semaphore, #tpu.memory_space<semaphore_mem>>) src(%arg8 : memref<10240xf32, #tpu.memory_space<hbm>>) dst(%arg17 : memref<10240xf32, #tpu.memory_space<vmem>>)
      tpu.yield
    }) : () -> ()
    "tpu.region"() ({
      %run_scoped3A = tpu.sem_alloc : memref<!tpu.dma_semaphore, #tpu.memory_space<semaphore_mem>>
      tpu.enqueue_dma source(%arg8 : memref<10240xf32, #tpu.memory_space<hbm>>) target(%arg18 : memref<10240xf32, #tpu.memory_space<vmem>>) target_semaphore(%run_scoped3A : memref<!tpu.dma_semaphore, #tpu.memory_space<semaphore_mem>>)
      tpu.wait_dma2 semaphore(%run_scoped3A : memref<!tpu.dma_semaphore, #tpu.memory_space<semaphore_mem>>) src(%arg8 : memref<10240xf32, #tpu.memory_space<hbm>>) dst(%arg18 : memref<10240xf32, #tpu.memory_space<vmem>>)
      tpu.yield
    }) : () -> ()
    "tpu.region"() ({
      %run_scoped3A = tpu.sem_alloc : memref<!tpu.dma_semaphore, #tpu.memory_space<semaphore_mem>>
      tpu.enqueue_dma source(%arg8 : memref<10240xf32, #tpu.memory_space<hbm>>) target(%arg19 : memref<10240xf32, #tpu.memory_space<vmem>>) target_semaphore(%run_scoped3A : memref<!tpu.dma_semaphore, #tpu.memory_space<semaphore_mem>>)
      tpu.wait_dma2 semaphore(%run_scoped3A : memref<!tpu.dma_semaphore, #tpu.memory_space<semaphore_mem>>) src(%arg8 : memref<10240xf32, #tpu.memory_space<hbm>>) dst(%arg19 : memref<10240xf32, #tpu.memory_space<vmem>>)
      tpu.yield
    }) : () -> ()
    %scan3A = arith.constant 0 : i32
    %scan3A_3 = arith.constant 5 : i32
    %scan3A_4 = arith.addi %scan3A, %scan3A_3 : i32
    %scan3A_5 = arith.constant 1 : i32
    scf.for %scan3A_23 = %scan3A to %scan3A_4 step %scan3A_5  : i32 {
      %mul3A_24 = arith.constant 1 : i32
      %mul3A_25 = arith.muli %scan3A_23, %mul3A_24 : i32
      %add3A_26 = arith.constant 0 : i32
      %add3A_27 = arith.addi %add3A_26, %mul3A_25 : i32
      %mul3A_28 = arith.constant 2000 : i32
      %mul3A_29 = arith.muli %add3A_27, %mul3A_28 : i32
      %add3A_30 = arith.addi %mul3A_2, %mul3A_29 : i32
      %dma_start3A = tpu.memref_slice %arg7[%add3A_30] : memref<320000xi32, #tpu.memory_space<hbm>> -> memref<2000xi32, #tpu.memory_space<hbm>>
      %dma_start3A_31 = tpu.memref_slice %arg7[%add3A_30] : memref<320000xi32, #tpu.memory_space<hbm>> -> memref<2000xi32, #tpu.memory_space<hbm>>
      tpu.enqueue_dma source(%dma_start3A_31 : memref<2000xi32, #tpu.memory_space<hbm>>) target(%arg10 : memref<2000xi32, #tpu.memory_space<vmem>>) target_semaphore(%arg20 : memref<!tpu.dma_semaphore, #tpu.memory_space<semaphore_mem>>)
      %dma_start3A_32 = tpu.memref_slice %arg2[%add3A_30] : memref<320000xf32, #tpu.memory_space<hbm>> -> memref<2000xf32, #tpu.memory_space<hbm>>
      %dma_start3A_33 = tpu.memref_slice %arg2[%add3A_30] : memref<320000xf32, #tpu.memory_space<hbm>> -> memref<2000xf32, #tpu.memory_space<hbm>>
      tpu.enqueue_dma source(%dma_start3A_33 : memref<2000xf32, #tpu.memory_space<hbm>>) target(%arg11 : memref<2000xf32, #tpu.memory_space<vmem>>) target_semaphore(%arg20 : memref<!tpu.dma_semaphore, #tpu.memory_space<semaphore_mem>>)
      %dma_start3A_34 = tpu.memref_slice %arg3[%add3A_30] : memref<320000xf32, #tpu.memory_space<hbm>> -> memref<2000xf32, #tpu.memory_space<hbm>>
      %dma_start3A_35 = tpu.memref_slice %arg3[%add3A_30] : memref<320000xf32, #tpu.memory_space<hbm>> -> memref<2000xf32, #tpu.memory_space<hbm>>
      tpu.enqueue_dma source(%dma_start3A_35 : memref<2000xf32, #tpu.memory_space<hbm>>) target(%arg12 : memref<2000xf32, #tpu.memory_space<vmem>>) target_semaphore(%arg20 : memref<!tpu.dma_semaphore, #tpu.memory_space<semaphore_mem>>)
      %dma_start3A_36 = tpu.memref_slice %arg4[%add3A_30] : memref<320000xf32, #tpu.memory_space<hbm>> -> memref<2000xf32, #tpu.memory_space<hbm>>
      %dma_start3A_37 = tpu.memref_slice %arg4[%add3A_30] : memref<320000xf32, #tpu.memory_space<hbm>> -> memref<2000xf32, #tpu.memory_space<hbm>>
      tpu.enqueue_dma source(%dma_start3A_37 : memref<2000xf32, #tpu.memory_space<hbm>>) target(%arg13 : memref<2000xf32, #tpu.memory_space<vmem>>) target_semaphore(%arg20 : memref<!tpu.dma_semaphore, #tpu.memory_space<semaphore_mem>>)
      %dma_start3A_38 = tpu.memref_slice %arg5[%add3A_30] : memref<320000xf32, #tpu.memory_space<hbm>> -> memref<2000xf32, #tpu.memory_space<hbm>>
      %dma_start3A_39 = tpu.memref_slice %arg5[%add3A_30] : memref<320000xf32, #tpu.memory_space<hbm>> -> memref<2000xf32, #tpu.memory_space<hbm>>
      tpu.enqueue_dma source(%dma_start3A_39 : memref<2000xf32, #tpu.memory_space<hbm>>) target(%arg14 : memref<2000xf32, #tpu.memory_space<vmem>>) target_semaphore(%arg20 : memref<!tpu.dma_semaphore, #tpu.memory_space<semaphore_mem>>)
      %dma_start3A_40 = tpu.memref_slice %arg6[%add3A_30] : memref<320000xf32, #tpu.memory_space<hbm>> -> memref<2000xf32, #tpu.memory_space<hbm>>
      %dma_start3A_41 = tpu.memref_slice %arg6[%add3A_30] : memref<320000xf32, #tpu.memory_space<hbm>> -> memref<2000xf32, #tpu.memory_space<hbm>>
      tpu.enqueue_dma source(%dma_start3A_41 : memref<2000xf32, #tpu.memory_space<hbm>>) target(%arg15 : memref<2000xf32, #tpu.memory_space<vmem>>) target_semaphore(%arg20 : memref<!tpu.dma_semaphore, #tpu.memory_space<semaphore_mem>>)
      %dma_wait3A = tpu.memref_slice %arg7[%add3A_30] : memref<320000xi32, #tpu.memory_space<hbm>> -> memref<2000xi32, #tpu.memory_space<hbm>>
      %dma_wait3A_42 = tpu.memref_slice %arg7[%add3A_30] : memref<320000xi32, #tpu.memory_space<hbm>> -> memref<2000xi32, #tpu.memory_space<hbm>>
      tpu.wait_dma2 semaphore(%arg20 : memref<!tpu.dma_semaphore, #tpu.memory_space<semaphore_mem>>) src(%dma_wait3A_42 : memref<2000xi32, #tpu.memory_space<hbm>>) dst(%arg10 : memref<2000xi32, #tpu.memory_space<vmem>>)
      %dma_wait3A_43 = tpu.memref_slice %arg2[%add3A_30] : memref<320000xf32, #tpu.memory_space<hbm>> -> memref<2000xf32, #tpu.memory_space<hbm>>
      %dma_wait3A_44 = tpu.memref_slice %arg2[%add3A_30] : memref<320000xf32, #tpu.memory_space<hbm>> -> memref<2000xf32, #tpu.memory_space<hbm>>
      tpu.wait_dma2 semaphore(%arg20 : memref<!tpu.dma_semaphore, #tpu.memory_space<semaphore_mem>>) src(%dma_wait3A_44 : memref<2000xf32, #tpu.memory_space<hbm>>) dst(%arg11 : memref<2000xf32, #tpu.memory_space<vmem>>)
      %dma_wait3A_45 = tpu.memref_slice %arg3[%add3A_30] : memref<320000xf32, #tpu.memory_space<hbm>> -> memref<2000xf32, #tpu.memory_space<hbm>>
      %dma_wait3A_46 = tpu.memref_slice %arg3[%add3A_30] : memref<320000xf32, #tpu.memory_space<hbm>> -> memref<2000xf32, #tpu.memory_space<hbm>>
      tpu.wait_dma2 semaphore(%arg20 : memref<!tpu.dma_semaphore, #tpu.memory_space<semaphore_mem>>) src(%dma_wait3A_46 : memref<2000xf32, #tpu.memory_space<hbm>>) dst(%arg12 : memref<2000xf32, #tpu.memory_space<vmem>>)
      %dma_wait3A_47 = tpu.memref_slice %arg4[%add3A_30] : memref<320000xf32, #tpu.memory_space<hbm>> -> memref<2000xf32, #tpu.memory_space<hbm>>
      %dma_wait3A_48 = tpu.memref_slice %arg4[%add3A_30] : memref<320000xf32, #tpu.memory_space<hbm>> -> memref<2000xf32, #tpu.memory_space<hbm>>
      tpu.wait_dma2 semaphore(%arg20 : memref<!tpu.dma_semaphore, #tpu.memory_space<semaphore_mem>>) src(%dma_wait3A_48 : memref<2000xf32, #tpu.memory_space<hbm>>) dst(%arg13 : memref<2000xf32, #tpu.memory_space<vmem>>)
      %dma_wait3A_49 = tpu.memref_slice %arg5[%add3A_30] : memref<320000xf32, #tpu.memory_space<hbm>> -> memref<2000xf32, #tpu.memory_space<hbm>>
      %dma_wait3A_50 = tpu.memref_slice %arg5[%add3A_30] : memref<320000xf32, #tpu.memory_space<hbm>> -> memref<2000xf32, #tpu.memory_space<hbm>>
      tpu.wait_dma2 semaphore(%arg20 : memref<!tpu.dma_semaphore, #tpu.memory_space<semaphore_mem>>) src(%dma_wait3A_50 : memref<2000xf32, #tpu.memory_space<hbm>>) dst(%arg14 : memref<2000xf32, #tpu.memory_space<vmem>>)
      %dma_wait3A_51 = tpu.memref_slice %arg6[%add3A_30] : memref<320000xf32, #tpu.memory_space<hbm>> -> memref<2000xf32, #tpu.memory_space<hbm>>
      %dma_wait3A_52 = tpu.memref_slice %arg6[%add3A_30] : memref<320000xf32, #tpu.memory_space<hbm>> -> memref<2000xf32, #tpu.memory_space<hbm>>
      tpu.wait_dma2 semaphore(%arg20 : memref<!tpu.dma_semaphore, #tpu.memory_space<semaphore_mem>>) src(%dma_wait3A_52 : memref<2000xf32, #tpu.memory_space<hbm>>) dst(%arg15 : memref<2000xf32, #tpu.memory_space<vmem>>)
      %scan3A_53 = arith.constant 0 : i32
      %scan3A_54 = arith.constant 125 : i32
      %scan3A_55 = arith.addi %scan3A_53, %scan3A_54 : i32
      %scan3A_56 = arith.constant 1 : i32
      scf.for %scan3A_58 = %scan3A_53 to %scan3A_55 step %scan3A_56  : i32 {
        %mul3A_59 = arith.constant 1 : i32
        %mul3A_60 = arith.muli %scan3A_58, %mul3A_59 : i32
        %add3A_61 = arith.constant 0 : i32
        %add3A_62 = arith.addi %add3A_61, %mul3A_60 : i32
        %mul3A_63 = arith.constant 16 : i32
        %mul3A_64 = arith.muli %add3A_62, %mul3A_63 : i32
        %get3A = arith.index_cast %mul3A_64 : i32 to index
        %get3A_65 = tpu.vector_load %arg10[%get3A] {strides = array<i32>} : memref<2000xi32, #tpu.memory_space<vmem>>, vector<16xi32>,
        %get3A_66 = arith.index_cast %mul3A_64 : i32 to index
        %get3A_67 = tpu.vector_load %arg11[%get3A_66] {strides = array<i32>} : memref<2000xf32, #tpu.memory_space<vmem>>, vector<16xf32>,
        %get3A_68 = arith.index_cast %mul3A_64 : i32 to index
        %get3A_69 = tpu.vector_load %arg12[%get3A_68] {strides = array<i32>} : memref<2000xf32, #tpu.memory_space<vmem>>, vector<16xf32>,
        %mul3A_70 = arith.mulf %get3A_69, %get3A_67 : vector<16xf32>
        tpu.vector_store_idx %arg16[%get3A_65], %mul3A_70 {add = true} : memref<10240xf32, #tpu.memory_space<vmem>>[vector<16xi32>], vector<16xf32>,
        %get3A_71 = arith.index_cast %mul3A_64 : i32 to index
        %get3A_72 = tpu.vector_load %arg13[%get3A_71] {strides = array<i32>} : memref<2000xf32, #tpu.memory_space<vmem>>, vector<16xf32>,
        %mul3A_73 = arith.mulf %get3A_72, %get3A_67 : vector<16xf32>
        tpu.vector_store_idx %arg17[%get3A_65], %mul3A_73 {add = true} : memref<10240xf32, #tpu.memory_space<vmem>>[vector<16xi32>], vector<16xf32>,
        %get3A_74 = arith.index_cast %mul3A_64 : i32 to index
        %get3A_75 = tpu.vector_load %arg14[%get3A_74] {strides = array<i32>} : memref<2000xf32, #tpu.memory_space<vmem>>, vector<16xf32>,
        %mul3A_76 = arith.mulf %get3A_75, %get3A_67 : vector<16xf32>
        tpu.vector_store_idx %arg18[%get3A_65], %mul3A_76 {add = true} : memref<10240xf32, #tpu.memory_space<vmem>>[vector<16xi32>], vector<16xf32>,
        %get3A_77 = arith.index_cast %mul3A_64 : i32 to index
        %get3A_78 = tpu.vector_load %arg15[%get3A_77] {strides = array<i32>} : memref<2000xf32, #tpu.memory_space<vmem>>, vector<16xf32>,
        tpu.vector_store_idx %arg19[%get3A_65], %get3A_78 {add = true} : memref<10240xf32, #tpu.memory_space<vmem>>[vector<16xi32>], vector<16xf32>,
      }
      %scan3A_57 = arith.constant 125 : i32
    }
    %scan3A_6 = arith.constant 5 : i32
    %mul3A_7 = arith.constant 40960 : i32
    %mul3A_8 = arith.muli %add3A, %mul3A_7 : i32
    %add3A_9 = arith.constant 0 : i32
    %add3A_10 = arith.addi %mul3A_8, %add3A_9 : i32
    "tpu.region"() ({
      %run_scoped3A = tpu.sem_alloc : memref<!tpu.dma_semaphore, #tpu.memory_space<semaphore_mem>>
      %dma_start3A = tpu.memref_slice %arg9[%add3A_10] : memref<1310720xf32, #tpu.memory_space<hbm>> -> memref<10240xf32, #tpu.memory_space<hbm>>
      %dma_start3A_23 = tpu.memref_slice %arg9[%add3A_10] : memref<1310720xf32, #tpu.memory_space<hbm>> -> memref<10240xf32, #tpu.memory_space<hbm>>
      tpu.enqueue_dma source(%arg16 : memref<10240xf32, #tpu.memory_space<vmem>>) target(%dma_start3A_23 : memref<10240xf32, #tpu.memory_space<hbm>>) target_semaphore(%run_scoped3A : memref<!tpu.dma_semaphore, #tpu.memory_space<semaphore_mem>>)
      %dma_wait3A = tpu.memref_slice %arg9[%add3A_10] : memref<1310720xf32, #tpu.memory_space<hbm>> -> memref<10240xf32, #tpu.memory_space<hbm>>
      %dma_wait3A_24 = tpu.memref_slice %arg9[%add3A_10] : memref<1310720xf32, #tpu.memory_space<hbm>> -> memref<10240xf32, #tpu.memory_space<hbm>>
      tpu.wait_dma2 semaphore(%run_scoped3A : memref<!tpu.dma_semaphore, #tpu.memory_space<semaphore_mem>>) src(%arg16 : memref<10240xf32, #tpu.memory_space<vmem>>) dst(%dma_wait3A_24 : memref<10240xf32, #tpu.memory_space<hbm>>)
      tpu.yield
    }) : () -> ()
    %mul3A_11 = arith.constant 40960 : i32
    %mul3A_12 = arith.muli %add3A, %mul3A_11 : i32
    %add3A_13 = arith.constant 10240 : i32
    %add3A_14 = arith.addi %mul3A_12, %add3A_13 : i32
    "tpu.region"() ({
      %run_scoped3A = tpu.sem_alloc : memref<!tpu.dma_semaphore, #tpu.memory_space<semaphore_mem>>
      %dma_start3A = tpu.memref_slice %arg9[%add3A_14] : memref<1310720xf32, #tpu.memory_space<hbm>> -> memref<10240xf32, #tpu.memory_space<hbm>>
      %dma_start3A_23 = tpu.memref_slice %arg9[%add3A_14] : memref<1310720xf32, #tpu.memory_space<hbm>> -> memref<10240xf32, #tpu.memory_space<hbm>>
      tpu.enqueue_dma source(%arg17 : memref<10240xf32, #tpu.memory_space<vmem>>) target(%dma_start3A_23 : memref<10240xf32, #tpu.memory_space<hbm>>) target_semaphore(%run_scoped3A : memref<!tpu.dma_semaphore, #tpu.memory_space<semaphore_mem>>)
      %dma_wait3A = tpu.memref_slice %arg9[%add3A_14] : memref<1310720xf32, #tpu.memory_space<hbm>> -> memref<10240xf32, #tpu.memory_space<hbm>>
      %dma_wait3A_24 = tpu.memref_slice %arg9[%add3A_14] : memref<1310720xf32, #tpu.memory_space<hbm>> -> memref<10240xf32, #tpu.memory_space<hbm>>
      tpu.wait_dma2 semaphore(%run_scoped3A : memref<!tpu.dma_semaphore, #tpu.memory_space<semaphore_mem>>) src(%arg17 : memref<10240xf32, #tpu.memory_space<vmem>>) dst(%dma_wait3A_24 : memref<10240xf32, #tpu.memory_space<hbm>>)
      tpu.yield
    }) : () -> ()
    %mul3A_15 = arith.constant 40960 : i32
    %mul3A_16 = arith.muli %add3A, %mul3A_15 : i32
    %add3A_17 = arith.constant 20480 : i32
    %add3A_18 = arith.addi %mul3A_16, %add3A_17 : i32
    "tpu.region"() ({
      %run_scoped3A = tpu.sem_alloc : memref<!tpu.dma_semaphore, #tpu.memory_space<semaphore_mem>>
      %dma_start3A = tpu.memref_slice %arg9[%add3A_18] : memref<1310720xf32, #tpu.memory_space<hbm>> -> memref<10240xf32, #tpu.memory_space<hbm>>
      %dma_start3A_23 = tpu.memref_slice %arg9[%add3A_18] : memref<1310720xf32, #tpu.memory_space<hbm>> -> memref<10240xf32, #tpu.memory_space<hbm>>
      tpu.enqueue_dma source(%arg18 : memref<10240xf32, #tpu.memory_space<vmem>>) target(%dma_start3A_23 : memref<10240xf32, #tpu.memory_space<hbm>>) target_semaphore(%run_scoped3A : memref<!tpu.dma_semaphore, #tpu.memory_space<semaphore_mem>>)
      %dma_wait3A = tpu.memref_slice %arg9[%add3A_18] : memref<1310720xf32, #tpu.memory_space<hbm>> -> memref<10240xf32, #tpu.memory_space<hbm>>
      %dma_wait3A_24 = tpu.memref_slice %arg9[%add3A_18] : memref<1310720xf32, #tpu.memory_space<hbm>> -> memref<10240xf32, #tpu.memory_space<hbm>>
      tpu.wait_dma2 semaphore(%run_scoped3A : memref<!tpu.dma_semaphore, #tpu.memory_space<semaphore_mem>>) src(%arg18 : memref<10240xf32, #tpu.memory_space<vmem>>) dst(%dma_wait3A_24 : memref<10240xf32, #tpu.memory_space<hbm>>)
      tpu.yield
    }) : () -> ()
    %mul3A_19 = arith.constant 40960 : i32
    %mul3A_20 = arith.muli %add3A, %mul3A_19 : i32
    %add3A_21 = arith.constant 30720 : i32
    %add3A_22 = arith.addi %mul3A_20, %add3A_21 : i32
    "tpu.region"() ({
      %run_scoped3A = tpu.sem_alloc : memref<!tpu.dma_semaphore, #tpu.memory_space<semaphore_mem>>
      %dma_start3A = tpu.memref_slice %arg9[%add3A_22] : memref<1310720xf32, #tpu.memory_space<hbm>> -> memref<10240xf32, #tpu.memory_space<hbm>>
      %dma_start3A_23 = tpu.memref_slice %arg9[%add3A_22] : memref<1310720xf32, #tpu.memory_space<hbm>> -> memref<10240xf32, #tpu.memory_space<hbm>>
      tpu.enqueue_dma source(%arg19 : memref<10240xf32, #tpu.memory_space<vmem>>) target(%dma_start3A_23 : memref<10240xf32, #tpu.memory_space<hbm>>) target_semaphore(%run_scoped3A : memref<!tpu.dma_semaphore, #tpu.memory_space<semaphore_mem>>)
      %dma_wait3A = tpu.memref_slice %arg9[%add3A_22] : memref<1310720xf32, #tpu.memory_space<hbm>> -> memref<10240xf32, #tpu.memory_space<hbm>>
      %dma_wait3A_24 = tpu.memref_slice %arg9[%add3A_22] : memref<1310720xf32, #tpu.memory_space<hbm>> -> memref<10240xf32, #tpu.memory_space<hbm>>
      tpu.wait_dma2 semaphore(%run_scoped3A : memref<!tpu.dma_semaphore, #tpu.memory_space<semaphore_mem>>) src(%arg19 : memref<10240xf32, #tpu.memory_space<vmem>>) dst(%dma_wait3A_24 : memref<10240xf32, #tpu.memory_space<hbm>>)
      tpu.yield
    }) : () -> ()
    return
  }
}

#map = affine_map<(d0, d1) -> (0, 0)>
#map1 = affine_map<(d0, d1) -> (0, 0, 0, 0)>
module attributes {stable_mosaic.version = 14 : i64} {
  func.func @body(%arg0: i32, %arg1: i32, %arg2: memref<10000x128xf32, #tpu.memory_space<hbm>>, %arg3: memref<10000x128xf32, #tpu.memory_space<hbm>>, %arg4: memref<1250x2x2x128xi32, #tpu.memory_space<hbm>>, %arg5: memref<320000x128xf32, #tpu.memory_space<hbm>>, %arg6: memref<320000x128xf32, #tpu.memory_space<hbm>>, %arg7: memref<2x2x128xi32, #tpu.memory_space<vmem>>, %arg8: memref<256x128xf32, #tpu.memory_space<vmem>>, %arg9: memref<256x128xf32, #tpu.memory_space<vmem>>, %arg10: memref<!tpu.dma_semaphore, #tpu.memory_space<semaphore_mem>>, %arg11: memref<!tpu.dma_semaphore, #tpu.memory_space<semaphore_mem>>) attributes {dimension_semantics = [#tpu.dimension_semantics<core_parallel>, #tpu.dimension_semantics<subcore_parallel>], iteration_bounds = array<i64: 2, 16>, scalar_prefetch = 0 : i64, scratch_operands = 5 : i64, tpu.core_type = #tpu.core_type<sc_vector_subcore>, window_params = [{transform_indices = #map}, {transform_indices = #map}, {transform_indices = #map1}, {transform_indices = #map}, {transform_indices = #map}]} {
    %mul3A = arith.constant 2 : i32
    %mul3A_0 = arith.muli %arg1, %mul3A : i32
    %add3A = arith.addi %mul3A_0, %arg0 : i32
    %scan3A = arith.constant 0 : i32
    %scan3A_1 = arith.constant 40 : i32
    %scan3A_2 = arith.addi %scan3A, %scan3A_1 : i32
    %scan3A_3 = arith.constant 1 : i32
    scf.for %scan3A_19 = %scan3A to %scan3A_2 step %scan3A_3  : i32 {
      %mul3A_20 = arith.constant 1 : i32
      %mul3A_21 = arith.muli %scan3A_19, %mul3A_20 : i32
      %add3A_22 = arith.constant 0 : i32
      %add3A_23 = arith.addi %add3A_22, %mul3A_21 : i32
      %mul3A_24 = arith.constant 32 : i32
      %mul3A_25 = arith.muli %mul3A_24, %add3A_23 : i32
      %add3A_26 = arith.addi %add3A, %mul3A_25 : i32
      %lt3A_27 = arith.constant 1250 : i32
      %lt3A_28 = arith.cmpi slt, %add3A_26, %lt3A_27 : i32
      %convert_element_type3A = arith.extui %lt3A_28 : i1 to i32
      %cond3A = arith.constant 0 : i32
      %cond3A_29 = arith.cmpi ne, %convert_element_type3A, %cond3A : i32
      scf.if %cond3A_29 {
        %mul3A_30 = arith.constant 256 : i32
        %mul3A_31 = arith.muli %add3A_26, %mul3A_30 : i32
        %gt3A = arith.constant 0 : i32
        %gt3A_32 = arith.cmpi sgt, %add3A_23, %gt3A : i32
        %convert_element_type3A_33 = arith.extui %gt3A_32 : i1 to i32
        %cond3A_34 = arith.constant 0 : i32
        %cond3A_35 = arith.cmpi ne, %convert_element_type3A_33, %cond3A_34 : i32
        scf.if %cond3A_35 {
          %sub3A = arith.constant 32 : i32
          %sub3A_131 = arith.subi %add3A_26, %sub3A : i32
          %mul3A_132 = arith.constant 256 : i32
          %mul3A_133 = arith.muli %sub3A_131, %mul3A_132 : i32
          %dma_wait3A_134 = arith.constant 0 : i32
          %dma_wait3A_135 = tpu.memref_slice %arg5[%mul3A_133, %dma_wait3A_134] : memref<320000x128xf32, #tpu.memory_space<hbm>> -> memref<256x128xf32, #tpu.memory_space<hbm>>
          %dma_wait3A_136 = arith.constant 0 : i32
          %dma_wait3A_137 = tpu.memref_slice %arg5[%mul3A_133, %dma_wait3A_136] : memref<320000x128xf32, #tpu.memory_space<hbm>> -> memref<256x128xf32, #tpu.memory_space<hbm>>
          tpu.wait_dma2 semaphore(%arg11 : memref<!tpu.dma_semaphore, #tpu.memory_space<semaphore_mem>>) src(%arg8 : memref<256x128xf32, #tpu.memory_space<vmem>>) dst(%dma_wait3A_137 : memref<256x128xf32, #tpu.memory_space<hbm>>)
          %dma_wait3A_138 = arith.constant 0 : i32
          %dma_wait3A_139 = tpu.memref_slice %arg6[%mul3A_133, %dma_wait3A_138] : memref<320000x128xf32, #tpu.memory_space<hbm>> -> memref<256x128xf32, #tpu.memory_space<hbm>>
          %dma_wait3A_140 = arith.constant 0 : i32
          %dma_wait3A_141 = tpu.memref_slice %arg6[%mul3A_133, %dma_wait3A_140] : memref<320000x128xf32, #tpu.memory_space<hbm>> -> memref<256x128xf32, #tpu.memory_space<hbm>>
          tpu.wait_dma2 semaphore(%arg11 : memref<!tpu.dma_semaphore, #tpu.memory_space<semaphore_mem>>) src(%arg9 : memref<256x128xf32, #tpu.memory_space<vmem>>) dst(%dma_wait3A_141 : memref<256x128xf32, #tpu.memory_space<hbm>>)
        } else {
        }
        "tpu.region"() ({
          %run_scoped3A = tpu.sem_alloc : memref<!tpu.dma_semaphore, #tpu.memory_space<semaphore_mem>>
          %dma_start3A_131 = arith.constant 0 : i32
          %dma_start3A_132 = arith.constant 0 : i32
          %dma_start3A_133 = arith.constant 0 : i32
          %dma_start3A_134 = tpu.memref_slice %arg4[%add3A_26, %dma_start3A_131, %dma_start3A_132, %dma_start3A_133] : memref<1250x2x2x128xi32, #tpu.memory_space<hbm>> -> memref<1x2x2x128xi32, #tpu.memory_space<hbm>>
          %dma_start3A_135 = tpu.memref_squeeze %dma_start3A_134 : memref<1x2x2x128xi32, #tpu.memory_space<hbm>> -> memref<2x2x128xi32, #tpu.memory_space<hbm>>
          %dma_start3A_136 = arith.constant 0 : i32
          %dma_start3A_137 = arith.constant 0 : i32
          %dma_start3A_138 = arith.constant 0 : i32
          %dma_start3A_139 = tpu.memref_slice %arg4[%add3A_26, %dma_start3A_136, %dma_start3A_137, %dma_start3A_138] : memref<1250x2x2x128xi32, #tpu.memory_space<hbm>> -> memref<1x2x2x128xi32, #tpu.memory_space<hbm>>
          %dma_start3A_140 = tpu.memref_squeeze %dma_start3A_139 : memref<1x2x2x128xi32, #tpu.memory_space<hbm>> -> memref<2x2x128xi32, #tpu.memory_space<hbm>>
          tpu.enqueue_dma source(%dma_start3A_140 : memref<2x2x128xi32, #tpu.memory_space<hbm>>) target(%arg7 : memref<2x2x128xi32, #tpu.memory_space<vmem>>) target_semaphore(%run_scoped3A : memref<!tpu.dma_semaphore, #tpu.memory_space<semaphore_mem>>)
          %dma_wait3A_141 = arith.constant 0 : i32
          %dma_wait3A_142 = arith.constant 0 : i32
          %dma_wait3A_143 = arith.constant 0 : i32
          %dma_wait3A_144 = tpu.memref_slice %arg4[%add3A_26, %dma_wait3A_141, %dma_wait3A_142, %dma_wait3A_143] : memref<1250x2x2x128xi32, #tpu.memory_space<hbm>> -> memref<1x2x2x128xi32, #tpu.memory_space<hbm>>
          %dma_wait3A_145 = tpu.memref_squeeze %dma_wait3A_144 : memref<1x2x2x128xi32, #tpu.memory_space<hbm>> -> memref<2x2x128xi32, #tpu.memory_space<hbm>>
          %dma_wait3A_146 = arith.constant 0 : i32
          %dma_wait3A_147 = arith.constant 0 : i32
          %dma_wait3A_148 = arith.constant 0 : i32
          %dma_wait3A_149 = tpu.memref_slice %arg4[%add3A_26, %dma_wait3A_146, %dma_wait3A_147, %dma_wait3A_148] : memref<1250x2x2x128xi32, #tpu.memory_space<hbm>> -> memref<1x2x2x128xi32, #tpu.memory_space<hbm>>
          %dma_wait3A_150 = tpu.memref_squeeze %dma_wait3A_149 : memref<1x2x2x128xi32, #tpu.memory_space<hbm>> -> memref<2x2x128xi32, #tpu.memory_space<hbm>>
          tpu.wait_dma2 semaphore(%run_scoped3A : memref<!tpu.dma_semaphore, #tpu.memory_space<semaphore_mem>>) src(%dma_wait3A_150 : memref<2x2x128xi32, #tpu.memory_space<hbm>>) dst(%arg7 : memref<2x2x128xi32, #tpu.memory_space<vmem>>)
          tpu.yield
        }) : () -> ()
        %dma_start3A = arith.constant 0 : i32
        %dma_start3A_36 = arith.constant 0 : i32
        %dma_start3A_37 = arith.constant 0 : i32
        %dma_start3A_38 = arith.constant 0 : i32
        %dma_start3A_39 = tpu.memref_slice %arg8[%dma_start3A_37, %dma_start3A_38] : memref<256x128xf32, #tpu.memory_space<vmem>> -> memref<128x128xf32, #tpu.memory_space<vmem>>
        %dma_start3A_40 = arith.constant 0 : i32
        %dma_start3A_41 = tpu.memref_slice %arg7[%dma_start3A, %dma_start3A_36, %dma_start3A_40] : memref<2x2x128xi32, #tpu.memory_space<vmem>> -> memref<1x1x128xi32, #tpu.memory_space<vmem>>
        %dma_start3A_42 = tpu.memref_squeeze %dma_start3A_41 : memref<1x1x128xi32, #tpu.memory_space<vmem>> -> memref<128xi32, #tpu.memory_space<vmem>>
        %dma_start3A_43 = arith.constant 0 : i32
        %dma_start3A_44 = arith.constant 0 : i32
        %dma_start3A_45 = tpu.memref_slice %arg2[%dma_start3A_43, %dma_start3A_44] : memref<10000x128xf32, #tpu.memory_space<hbm>> -> memref<10000x128xf32, #tpu.memory_space<hbm>>
        tpu.enqueue_indirect_dma source(%dma_start3A_45 : memref<10000x128xf32, #tpu.memory_space<hbm>>) target(%dma_start3A_39 : memref<128x128xf32, #tpu.memory_space<vmem>>) offsets(%dma_start3A_42 : memref<128xi32, #tpu.memory_space<vmem>>) semaphore(%arg10 : memref<!tpu.dma_semaphore, #tpu.memory_space<semaphore_mem>>)
        %dma_start3A_46 = arith.constant 0 : i32
        %dma_start3A_47 = arith.constant 1 : i32
        %dma_start3A_48 = arith.constant 128 : i32
        %dma_start3A_49 = arith.constant 0 : i32
        %dma_start3A_50 = tpu.memref_slice %arg8[%dma_start3A_48, %dma_start3A_49] : memref<256x128xf32, #tpu.memory_space<vmem>> -> memref<128x128xf32, #tpu.memory_space<vmem>>
        %dma_start3A_51 = arith.constant 0 : i32
        %dma_start3A_52 = tpu.memref_slice %arg7[%dma_start3A_46, %dma_start3A_47, %dma_start3A_51] : memref<2x2x128xi32, #tpu.memory_space<vmem>> -> memref<1x1x128xi32, #tpu.memory_space<vmem>>
        %dma_start3A_53 = tpu.memref_squeeze %dma_start3A_52 : memref<1x1x128xi32, #tpu.memory_space<vmem>> -> memref<128xi32, #tpu.memory_space<vmem>>
        %dma_start3A_54 = arith.constant 0 : i32
        %dma_start3A_55 = arith.constant 0 : i32
        %dma_start3A_56 = tpu.memref_slice %arg2[%dma_start3A_54, %dma_start3A_55] : memref<10000x128xf32, #tpu.memory_space<hbm>> -> memref<10000x128xf32, #tpu.memory_space<hbm>>
        tpu.enqueue_indirect_dma source(%dma_start3A_56 : memref<10000x128xf32, #tpu.memory_space<hbm>>) target(%dma_start3A_50 : memref<128x128xf32, #tpu.memory_space<vmem>>) offsets(%dma_start3A_53 : memref<128xi32, #tpu.memory_space<vmem>>) semaphore(%arg10 : memref<!tpu.dma_semaphore, #tpu.memory_space<semaphore_mem>>)
        %dma_start3A_57 = arith.constant 1 : i32
        %dma_start3A_58 = arith.constant 0 : i32
        %dma_start3A_59 = arith.constant 0 : i32
        %dma_start3A_60 = arith.constant 0 : i32
        %dma_start3A_61 = tpu.memref_slice %arg9[%dma_start3A_59, %dma_start3A_60] : memref<256x128xf32, #tpu.memory_space<vmem>> -> memref<128x128xf32, #tpu.memory_space<vmem>>
        %dma_start3A_62 = arith.constant 0 : i32
        %dma_start3A_63 = tpu.memref_slice %arg7[%dma_start3A_57, %dma_start3A_58, %dma_start3A_62] : memref<2x2x128xi32, #tpu.memory_space<vmem>> -> memref<1x1x128xi32, #tpu.memory_space<vmem>>
        %dma_start3A_64 = tpu.memref_squeeze %dma_start3A_63 : memref<1x1x128xi32, #tpu.memory_space<vmem>> -> memref<128xi32, #tpu.memory_space<vmem>>
        %dma_start3A_65 = arith.constant 0 : i32
        %dma_start3A_66 = arith.constant 0 : i32
        %dma_start3A_67 = tpu.memref_slice %arg3[%dma_start3A_65, %dma_start3A_66] : memref<10000x128xf32, #tpu.memory_space<hbm>> -> memref<10000x128xf32, #tpu.memory_space<hbm>>
        tpu.enqueue_indirect_dma source(%dma_start3A_67 : memref<10000x128xf32, #tpu.memory_space<hbm>>) target(%dma_start3A_61 : memref<128x128xf32, #tpu.memory_space<vmem>>) offsets(%dma_start3A_64 : memref<128xi32, #tpu.memory_space<vmem>>) semaphore(%arg10 : memref<!tpu.dma_semaphore, #tpu.memory_space<semaphore_mem>>)
        %dma_start3A_68 = arith.constant 1 : i32
        %dma_start3A_69 = arith.constant 1 : i32
        %dma_start3A_70 = arith.constant 128 : i32
        %dma_start3A_71 = arith.constant 0 : i32
        %dma_start3A_72 = tpu.memref_slice %arg9[%dma_start3A_70, %dma_start3A_71] : memref<256x128xf32, #tpu.memory_space<vmem>> -> memref<128x128xf32, #tpu.memory_space<vmem>>
        %dma_start3A_73 = arith.constant 0 : i32
        %dma_start3A_74 = tpu.memref_slice %arg7[%dma_start3A_68, %dma_start3A_69, %dma_start3A_73] : memref<2x2x128xi32, #tpu.memory_space<vmem>> -> memref<1x1x128xi32, #tpu.memory_space<vmem>>
        %dma_start3A_75 = tpu.memref_squeeze %dma_start3A_74 : memref<1x1x128xi32, #tpu.memory_space<vmem>> -> memref<128xi32, #tpu.memory_space<vmem>>
        %dma_start3A_76 = arith.constant 0 : i32
        %dma_start3A_77 = arith.constant 0 : i32
        %dma_start3A_78 = tpu.memref_slice %arg3[%dma_start3A_76, %dma_start3A_77] : memref<10000x128xf32, #tpu.memory_space<hbm>> -> memref<10000x128xf32, #tpu.memory_space<hbm>>
        tpu.enqueue_indirect_dma source(%dma_start3A_78 : memref<10000x128xf32, #tpu.memory_space<hbm>>) target(%dma_start3A_72 : memref<128x128xf32, #tpu.memory_space<vmem>>) offsets(%dma_start3A_75 : memref<128xi32, #tpu.memory_space<vmem>>) semaphore(%arg10 : memref<!tpu.dma_semaphore, #tpu.memory_space<semaphore_mem>>)
        %dma_wait3A_79 = arith.constant 0 : i32
        %dma_wait3A_80 = arith.constant 0 : i32
        %dma_wait3A_81 = arith.constant 0 : i32
        %dma_wait3A_82 = arith.constant 0 : i32
        %dma_wait3A_83 = tpu.memref_slice %arg8[%dma_wait3A_81, %dma_wait3A_82] : memref<256x128xf32, #tpu.memory_space<vmem>> -> memref<128x128xf32, #tpu.memory_space<vmem>>
        %dma_wait3A_84 = arith.constant 0 : i32
        %dma_wait3A_85 = tpu.memref_slice %arg7[%dma_wait3A_79, %dma_wait3A_80, %dma_wait3A_84] : memref<2x2x128xi32, #tpu.memory_space<vmem>> -> memref<1x1x128xi32, #tpu.memory_space<vmem>>
        %dma_wait3A_86 = tpu.memref_squeeze %dma_wait3A_85 : memref<1x1x128xi32, #tpu.memory_space<vmem>> -> memref<128xi32, #tpu.memory_space<vmem>>
        %dma_wait3A_87 = arith.constant 0 : i32
        %dma_wait3A_88 = arith.constant 0 : i32
        %dma_wait3A_89 = tpu.memref_slice %arg2[%dma_wait3A_87, %dma_wait3A_88] : memref<10000x128xf32, #tpu.memory_space<hbm>> -> memref<10000x128xf32, #tpu.memory_space<hbm>>
        tpu.wait_indirect_dma semaphore(%arg10 : memref<!tpu.dma_semaphore, #tpu.memory_space<semaphore_mem>>) src(%dma_wait3A_89 : memref<10000x128xf32, #tpu.memory_space<hbm>>) dst(%dma_wait3A_83 : memref<128x128xf32, #tpu.memory_space<vmem>>)
        %dma_wait3A_90 = arith.constant 0 : i32
        %dma_wait3A_91 = arith.constant 1 : i32
        %dma_wait3A_92 = arith.constant 128 : i32
        %dma_wait3A_93 = arith.constant 0 : i32
        %dma_wait3A_94 = tpu.memref_slice %arg8[%dma_wait3A_92, %dma_wait3A_93] : memref<256x128xf32, #tpu.memory_space<vmem>> -> memref<128x128xf32, #tpu.memory_space<vmem>>
        %dma_wait3A_95 = arith.constant 0 : i32
        %dma_wait3A_96 = tpu.memref_slice %arg7[%dma_wait3A_90, %dma_wait3A_91, %dma_wait3A_95] : memref<2x2x128xi32, #tpu.memory_space<vmem>> -> memref<1x1x128xi32, #tpu.memory_space<vmem>>
        %dma_wait3A_97 = tpu.memref_squeeze %dma_wait3A_96 : memref<1x1x128xi32, #tpu.memory_space<vmem>> -> memref<128xi32, #tpu.memory_space<vmem>>
        %dma_wait3A_98 = arith.constant 0 : i32
        %dma_wait3A_99 = arith.constant 0 : i32
        %dma_wait3A_100 = tpu.memref_slice %arg2[%dma_wait3A_98, %dma_wait3A_99] : memref<10000x128xf32, #tpu.memory_space<hbm>> -> memref<10000x128xf32, #tpu.memory_space<hbm>>
        tpu.wait_indirect_dma semaphore(%arg10 : memref<!tpu.dma_semaphore, #tpu.memory_space<semaphore_mem>>) src(%dma_wait3A_100 : memref<10000x128xf32, #tpu.memory_space<hbm>>) dst(%dma_wait3A_94 : memref<128x128xf32, #tpu.memory_space<vmem>>)
        %dma_start3A_101 = arith.constant 0 : i32
        %dma_start3A_102 = tpu.memref_slice %arg5[%mul3A_31, %dma_start3A_101] : memref<320000x128xf32, #tpu.memory_space<hbm>> -> memref<256x128xf32, #tpu.memory_space<hbm>>
        %dma_start3A_103 = arith.constant 0 : i32
        %dma_start3A_104 = tpu.memref_slice %arg5[%mul3A_31, %dma_start3A_103] : memref<320000x128xf32, #tpu.memory_space<hbm>> -> memref<256x128xf32, #tpu.memory_space<hbm>>
        tpu.enqueue_dma source(%arg8 : memref<256x128xf32, #tpu.memory_space<vmem>>) target(%dma_start3A_104 : memref<256x128xf32, #tpu.memory_space<hbm>>) target_semaphore(%arg11 : memref<!tpu.dma_semaphore, #tpu.memory_space<semaphore_mem>>)
        %dma_wait3A_105 = arith.constant 1 : i32
        %dma_wait3A_106 = arith.constant 0 : i32
        %dma_wait3A_107 = arith.constant 0 : i32
        %dma_wait3A_108 = arith.constant 0 : i32
        %dma_wait3A_109 = tpu.memref_slice %arg9[%dma_wait3A_107, %dma_wait3A_108] : memref<256x128xf32, #tpu.memory_space<vmem>> -> memref<128x128xf32, #tpu.memory_space<vmem>>
        %dma_wait3A_110 = arith.constant 0 : i32
        %dma_wait3A_111 = tpu.memref_slice %arg7[%dma_wait3A_105, %dma_wait3A_106, %dma_wait3A_110] : memref<2x2x128xi32, #tpu.memory_space<vmem>> -> memref<1x1x128xi32, #tpu.memory_space<vmem>>
        %dma_wait3A_112 = tpu.memref_squeeze %dma_wait3A_111 : memref<1x1x128xi32, #tpu.memory_space<vmem>> -> memref<128xi32, #tpu.memory_space<vmem>>
        %dma_wait3A_113 = arith.constant 0 : i32
        %dma_wait3A_114 = arith.constant 0 : i32
        %dma_wait3A_115 = tpu.memref_slice %arg3[%dma_wait3A_113, %dma_wait3A_114] : memref<10000x128xf32, #tpu.memory_space<hbm>> -> memref<10000x128xf32, #tpu.memory_space<hbm>>
        tpu.wait_indirect_dma semaphore(%arg10 : memref<!tpu.dma_semaphore, #tpu.memory_space<semaphore_mem>>) src(%dma_wait3A_115 : memref<10000x128xf32, #tpu.memory_space<hbm>>) dst(%dma_wait3A_109 : memref<128x128xf32, #tpu.memory_space<vmem>>)
        %dma_wait3A_116 = arith.constant 1 : i32
        %dma_wait3A_117 = arith.constant 1 : i32
        %dma_wait3A_118 = arith.constant 128 : i32
        %dma_wait3A_119 = arith.constant 0 : i32
        %dma_wait3A_120 = tpu.memref_slice %arg9[%dma_wait3A_118, %dma_wait3A_119] : memref<256x128xf32, #tpu.memory_space<vmem>> -> memref<128x128xf32, #tpu.memory_space<vmem>>
        %dma_wait3A_121 = arith.constant 0 : i32
        %dma_wait3A_122 = tpu.memref_slice %arg7[%dma_wait3A_116, %dma_wait3A_117, %dma_wait3A_121] : memref<2x2x128xi32, #tpu.memory_space<vmem>> -> memref<1x1x128xi32, #tpu.memory_space<vmem>>
        %dma_wait3A_123 = tpu.memref_squeeze %dma_wait3A_122 : memref<1x1x128xi32, #tpu.memory_space<vmem>> -> memref<128xi32, #tpu.memory_space<vmem>>
        %dma_wait3A_124 = arith.constant 0 : i32
        %dma_wait3A_125 = arith.constant 0 : i32
        %dma_wait3A_126 = tpu.memref_slice %arg3[%dma_wait3A_124, %dma_wait3A_125] : memref<10000x128xf32, #tpu.memory_space<hbm>> -> memref<10000x128xf32, #tpu.memory_space<hbm>>
        tpu.wait_indirect_dma semaphore(%arg10 : memref<!tpu.dma_semaphore, #tpu.memory_space<semaphore_mem>>) src(%dma_wait3A_126 : memref<10000x128xf32, #tpu.memory_space<hbm>>) dst(%dma_wait3A_120 : memref<128x128xf32, #tpu.memory_space<vmem>>)
        %dma_start3A_127 = arith.constant 0 : i32
        %dma_start3A_128 = tpu.memref_slice %arg6[%mul3A_31, %dma_start3A_127] : memref<320000x128xf32, #tpu.memory_space<hbm>> -> memref<256x128xf32, #tpu.memory_space<hbm>>
        %dma_start3A_129 = arith.constant 0 : i32
        %dma_start3A_130 = tpu.memref_slice %arg6[%mul3A_31, %dma_start3A_129] : memref<320000x128xf32, #tpu.memory_space<hbm>> -> memref<256x128xf32, #tpu.memory_space<hbm>>
        tpu.enqueue_dma source(%arg9 : memref<256x128xf32, #tpu.memory_space<vmem>>) target(%dma_start3A_130 : memref<256x128xf32, #tpu.memory_space<hbm>>) target_semaphore(%arg11 : memref<!tpu.dma_semaphore, #tpu.memory_space<semaphore_mem>>)
      } else {
      }
    }
    %scan3A_4 = arith.constant 40 : i32
    %lt3A = arith.constant 2 : i32
    %lt3A_5 = arith.cmpi slt, %add3A, %lt3A : i32
    %add3A_6 = arith.constant 1248 : i32
    %add3A_7 = arith.addi %add3A, %add3A_6 : i32
    %add3A_8 = arith.constant 1216 : i32
    %add3A_9 = arith.addi %add3A, %add3A_8 : i32
    %select_n3A = arith.select %lt3A_5, %add3A_7, %add3A_9 : i32
    %mul3A_10 = arith.constant 256 : i32
    %mul3A_11 = arith.muli %select_n3A, %mul3A_10 : i32
    %dma_wait3A = arith.constant 0 : i32
    %dma_wait3A_12 = tpu.memref_slice %arg5[%mul3A_11, %dma_wait3A] : memref<320000x128xf32, #tpu.memory_space<hbm>> -> memref<256x128xf32, #tpu.memory_space<hbm>>
    %dma_wait3A_13 = arith.constant 0 : i32
    %dma_wait3A_14 = tpu.memref_slice %arg5[%mul3A_11, %dma_wait3A_13] : memref<320000x128xf32, #tpu.memory_space<hbm>> -> memref<256x128xf32, #tpu.memory_space<hbm>>
    tpu.wait_dma2 semaphore(%arg11 : memref<!tpu.dma_semaphore, #tpu.memory_space<semaphore_mem>>) src(%arg8 : memref<256x128xf32, #tpu.memory_space<vmem>>) dst(%dma_wait3A_14 : memref<256x128xf32, #tpu.memory_space<hbm>>)
    %dma_wait3A_15 = arith.constant 0 : i32
    %dma_wait3A_16 = tpu.memref_slice %arg6[%mul3A_11, %dma_wait3A_15] : memref<320000x128xf32, #tpu.memory_space<hbm>> -> memref<256x128xf32, #tpu.memory_space<hbm>>
    %dma_wait3A_17 = arith.constant 0 : i32
    %dma_wait3A_18 = tpu.memref_slice %arg6[%mul3A_11, %dma_wait3A_17] : memref<320000x128xf32, #tpu.memory_space<hbm>> -> memref<256x128xf32, #tpu.memory_space<hbm>>
    tpu.wait_dma2 semaphore(%arg11 : memref<!tpu.dma_semaphore, #tpu.memory_space<semaphore_mem>>) src(%arg9 : memref<256x128xf32, #tpu.memory_space<vmem>>) dst(%dma_wait3A_18 : memref<256x128xf32, #tpu.memory_space<hbm>>)
    return
  }
}

module attributes {stable_mosaic.version = 14 : i64} {
  func.func @_k1_body(%arg0: i32, %arg1: memref<2000x128xf32, #tpu.memory_space<vmem>>, %arg2: memref<384x128xf32, #tpu.memory_space<vmem>>, %arg3: memref<2000x128xf32, #tpu.memory_space<vmem>>, %arg4: memref<2000x128xf32, #tpu.memory_space<vmem>>) attributes {dimension_semantics = [#tpu.dimension_semantics<arbitrary>], iteration_bounds = array<i64: 5>, scalar_prefetch = 0 : i64, scratch_operands = 0 : i64, tpu.core_type = #tpu.core_type<tc>, window_params = [{transform_indices = @transform_0, window_bounds = array<i64: 2000, 128>}, {pipeline_mode = #tpu.pipeline_mode<synchronous>, transform_indices = @transform_1, window_bounds = array<i64: 384, 128>}, {transform_indices = @transform_2, window_bounds = array<i64: 2000, 128>}, {transform_indices = @transform_3, window_bounds = array<i64: 2000, 128>}]} {
    %get3A = arith.constant 0 : index
    %get3A_0 = arith.constant 0 : index
    %get3A_1 = vector.load %arg1[%get3A, %get3A_0] : memref<2000x128xf32, #tpu.memory_space<vmem>>, vector<2000x128xf32>
    %get3A_2 = arith.constant 0 : index
    %get3A_3 = arith.constant 0 : index
    %get3A_4 = vector.load %arg2[%get3A_2, %get3A_3] : memref<384x128xf32, #tpu.memory_space<vmem>>, vector<128x128xf32>
    %dot_general3A = arith.constant dense<0.000000e+00> : vector<2000x128xf32>
    %dot_general3A_5 = tpu.matmul %get3A_1, %get3A_4, %dot_general3A {dimension_numbers = #tpu.dot_dimension_numbers<[1], [0], [0], [1], [0, 0, 1, 1], [], []>, transpose_lhs_hint = false} : vector<2000x128xf32>, vector<128x128xf32>, vector<2000x128xf32> -> vector<2000x128xf32>
    %swap3A = arith.constant 0 : index
    %swap3A_6 = arith.constant 0 : index
    %swap3A_7 = vector.load %arg3[%swap3A, %swap3A_6] : memref<2000x128xf32, #tpu.memory_space<vmem>>, vector<2000x128xf32>
    tpu.vector_store %arg3[%swap3A, %swap3A_6], %dot_general3A_5 {strides = array<i32>} : memref<2000x128xf32, #tpu.memory_space<vmem>>, vector<2000x128xf32>,
    %get3A_8 = arith.constant 128 : index
    %get3A_9 = arith.constant 0 : index
    %get3A_10 = vector.load %arg2[%get3A_8, %get3A_9] : memref<384x128xf32, #tpu.memory_space<vmem>>, vector<128x128xf32>
    %dot_general3A_11 = arith.constant dense<0.000000e+00> : vector<2000x128xf32>
    %dot_general3A_12 = tpu.matmul %get3A_1, %get3A_10, %dot_general3A_11 {dimension_numbers = #tpu.dot_dimension_numbers<[1], [0], [0], [1], [0, 0, 1, 1], [], []>, transpose_lhs_hint = false} : vector<2000x128xf32>, vector<128x128xf32>, vector<2000x128xf32> -> vector<2000x128xf32>
    %swap3A_13 = arith.constant 0 : index
    %swap3A_14 = arith.constant 0 : index
    %swap3A_15 = vector.load %arg4[%swap3A_13, %swap3A_14] : memref<2000x128xf32, #tpu.memory_space<vmem>>, vector<2000x128xf32>
    tpu.vector_store %arg4[%swap3A_13, %swap3A_14], %dot_general3A_12 {strides = array<i32>} : memref<2000x128xf32, #tpu.memory_space<vmem>>, vector<2000x128xf32>,
    return
  }
  func.func @transform_0(%arg0: i32) -> (i32, i32) {
    %c0_i32 = arith.constant 0 : i32
    %c0_i32_0 = arith.constant 0 : i32
    return %arg0, %c0_i32 : i32, i32
  }
  func.func @transform_1(%arg0: i32) -> (i32, i32) {
    %c0_i32 = arith.constant 0 : i32
    %c0_i32_0 = arith.constant 0 : i32
    %c0_i32_1 = arith.constant 0 : i32
    return %c0_i32, %c0_i32_0 : i32, i32
  }
  func.func @transform_2(%arg0: i32) -> (i32, i32) {
    %c0_i32 = arith.constant 0 : i32
    %c0_i32_0 = arith.constant 0 : i32
    return %arg0, %c0_i32 : i32, i32
  }
  func.func @transform_3(%arg0: i32) -> (i32, i32) {
    %c0_i32 = arith.constant 0 : i32
    %c0_i32_0 = arith.constant 0 : i32
    return %arg0, %c0_i32 : i32, i32
  }
}

module attributes {stable_mosaic.version = 14 : i64} {
  func.func @_k3_body(%arg0: i32, %arg1: memref<2000x128xf32, #tpu.memory_space<vmem>>, %arg2: memref<2000x128xf32, #tpu.memory_space<vmem>>, %arg3: memref<2000x128xf32, #tpu.memory_space<vmem>>, %arg4: memref<128x128xbf16, #tpu.memory_space<vmem>>, %arg5: memref<1x128xf32, #tpu.memory_space<vmem>>, %arg6: memref<128x128xbf16, #tpu.memory_space<vmem>>, %arg7: memref<1x128xf32, #tpu.memory_space<vmem>>, %arg8: memref<128x1xbf16, #tpu.memory_space<vmem>>, %arg9: memref<1x1xf32, #tpu.memory_space<vmem>>, %arg10: memref<1x1x2000xf32, #tpu.memory_space<vmem>>) attributes {dimension_semantics = [#tpu.dimension_semantics<arbitrary>], iteration_bounds = array<i64: 160>, scalar_prefetch = 0 : i64, scratch_operands = 0 : i64, tpu.core_type = #tpu.core_type<tc>, window_params = [{transform_indices = @transform_0, window_bounds = array<i64: 2000, 128>}, {transform_indices = @transform_1, window_bounds = array<i64: 2000, 128>}, {transform_indices = @transform_2, window_bounds = array<i64: 2000, 128>}, {pipeline_mode = #tpu.pipeline_mode<synchronous>, transform_indices = @transform_3, window_bounds = array<i64: 128, 128>}, {pipeline_mode = #tpu.pipeline_mode<synchronous>, transform_indices = @transform_4, window_bounds = array<i64: 1, 128>}, {pipeline_mode = #tpu.pipeline_mode<synchronous>, transform_indices = @transform_5, window_bounds = array<i64: 128, 128>}, {pipeline_mode = #tpu.pipeline_mode<synchronous>, transform_indices = @transform_6, window_bounds = array<i64: 1, 128>}, {pipeline_mode = #tpu.pipeline_mode<synchronous>, transform_indices = @transform_7, window_bounds = array<i64: 128, 1>}, {pipeline_mode = #tpu.pipeline_mode<synchronous>, transform_indices = @transform_8, window_bounds = array<i64: 1, 1>}, {transform_indices = @transform_9, window_bounds = array<i64: 1, 1, 2000>}]} {
    %get3A = arith.constant 0 : index
    %get3A_0 = arith.constant 0 : index
    %get3A_1 = vector.load %arg3[%get3A, %get3A_0] : memref<2000x128xf32, #tpu.memory_space<vmem>>, vector<2000x128xf32>
    %convert_element_type3A = arith.truncf %get3A_1 : vector<2000x128xf32> to vector<2000x128xbf16>
    %get3A_2 = arith.constant 0 : index
    %get3A_3 = arith.constant 0 : index
    %get3A_4 = vector.load %arg1[%get3A_2, %get3A_3] : memref<2000x128xf32, #tpu.memory_space<vmem>>, vector<2000x128xf32>
    %get3A_5 = arith.constant 0 : index
    %get3A_6 = arith.constant 0 : index
    %get3A_7 = vector.load %arg2[%get3A_5, %get3A_6] : memref<2000x128xf32, #tpu.memory_space<vmem>>, vector<2000x128xf32>
    %add3A = arith.addf %get3A_4, %get3A_7 : vector<2000x128xf32>
    %get3A_8 = arith.constant 0 : index
    %get3A_9 = arith.constant 0 : index
    %get3A_10 = vector.load %arg4[%get3A_8, %get3A_9] : memref<128x128xbf16, #tpu.memory_space<vmem>>, vector<128x128xbf16>
    %dot_general3A = arith.constant dense<0.000000e+00> : vector<2000x128xf32>
    %dot_general3A_11 = tpu.matmul %convert_element_type3A, %get3A_10, %dot_general3A {dimension_numbers = #tpu.dot_dimension_numbers<[1], [0], [0], [1], [0, 0, 1, 1], [], []>, transpose_lhs_hint = false} : vector<2000x128xbf16>, vector<128x128xbf16>, vector<2000x128xf32> -> vector<2000x128xf32>
    %add3A_12 = arith.addf %add3A, %dot_general3A_11 : vector<2000x128xf32>
    %get3A_13 = arith.constant 0 : index
    %get3A_14 = arith.constant 0 : index
    %get3A_15 = vector.load %arg5[%get3A_13, %get3A_14] : memref<1x128xf32, #tpu.memory_space<vmem>>, vector<1x128xf32>
    %add3A_16 = vector.broadcast %get3A_15 : vector<1x128xf32> to vector<2000x128xf32>
    %add3A_17 = arith.addf %add3A_12, %add3A_16 : vector<2000x128xf32>
    %logistic3A = arith.negf %add3A_17 : vector<2000x128xf32>
    %logistic3A_18 = math.exp %logistic3A : vector<2000x128xf32>
    %logistic3A_19 = arith.constant 1.000000e+00 : f32
    %logistic3A_20 = vector.broadcast %logistic3A_19 : f32 to vector<2000x128xf32>
    %logistic3A_21 = arith.addf %logistic3A_20, %logistic3A_18 : vector<2000x128xf32>
    %logistic3A_22 = arith.divf %logistic3A_20, %logistic3A_21 : vector<2000x128xf32>
    %mul3A = arith.mulf %add3A_17, %logistic3A_22 : vector<2000x128xf32>
    %convert_element_type3A_23 = arith.truncf %mul3A : vector<2000x128xf32> to vector<2000x128xbf16>
    %get3A_24 = arith.constant 0 : index
    %get3A_25 = arith.constant 0 : index
    %get3A_26 = vector.load %arg6[%get3A_24, %get3A_25] : memref<128x128xbf16, #tpu.memory_space<vmem>>, vector<128x128xbf16>
    %dot_general3A_27 = arith.constant dense<0.000000e+00> : vector<2000x128xf32>
    %dot_general3A_28 = tpu.matmul %convert_element_type3A_23, %get3A_26, %dot_general3A_27 {dimension_numbers = #tpu.dot_dimension_numbers<[1], [0], [0], [1], [0, 0, 1, 1], [], []>, transpose_lhs_hint = false} : vector<2000x128xbf16>, vector<128x128xbf16>, vector<2000x128xf32> -> vector<2000x128xf32>
    %get3A_29 = arith.constant 0 : index
    %get3A_30 = arith.constant 0 : index
    %get3A_31 = vector.load %arg7[%get3A_29, %get3A_30] : memref<1x128xf32, #tpu.memory_space<vmem>>, vector<1x128xf32>
    %add3A_32 = vector.broadcast %get3A_31 : vector<1x128xf32> to vector<2000x128xf32>
    %add3A_33 = arith.addf %dot_general3A_28, %add3A_32 : vector<2000x128xf32>
    %logistic3A_34 = arith.negf %add3A_33 : vector<2000x128xf32>
    %logistic3A_35 = math.exp %logistic3A_34 : vector<2000x128xf32>
    %logistic3A_36 = arith.constant 1.000000e+00 : f32
    %logistic3A_37 = vector.broadcast %logistic3A_36 : f32 to vector<2000x128xf32>
    %logistic3A_38 = arith.addf %logistic3A_37, %logistic3A_35 : vector<2000x128xf32>
    %logistic3A_39 = arith.divf %logistic3A_37, %logistic3A_38 : vector<2000x128xf32>
    %mul3A_40 = arith.mulf %add3A_33, %logistic3A_39 : vector<2000x128xf32>
    %convert_element_type3A_41 = arith.truncf %mul3A_40 : vector<2000x128xf32> to vector<2000x128xbf16>
    %get3A_42 = arith.constant 0 : index
    %get3A_43 = arith.constant 0 : index
    %get3A_44 = vector.load %arg8[%get3A_42, %get3A_43] : memref<128x1xbf16, #tpu.memory_space<vmem>>, vector<128x1xbf16>
    %dot_general3A_45 = arith.constant dense<0.000000e+00> : vector<1x2000xf32>
    %dot_general3A_46 = tpu.matmul %get3A_44, %convert_element_type3A_41, %dot_general3A_45 {dimension_numbers = #tpu.dot_dimension_numbers<[0], [1], [1], [0], [0, 1, 1, 0], [], []>, transpose_lhs_hint = false} : vector<128x1xbf16>, vector<2000x128xbf16>, vector<1x2000xf32> -> vector<1x2000xf32>
    %get3A_47 = arith.constant 0 : index
    %get3A_48 = arith.constant 0 : index
    %get3A_49 = vector.load %arg9[%get3A_47, %get3A_48] : memref<1x1xf32, #tpu.memory_space<vmem>>, vector<1x1xf32>
    %add3A_50 = vector.broadcast %get3A_49 : vector<1x1xf32> to vector<1x2000xf32>
    %add3A_51 = arith.addf %dot_general3A_46, %add3A_50 : vector<1x2000xf32>
    %reshape3A = vector.shape_cast %add3A_51 : vector<1x2000xf32> to vector<1x1x2000xf32>
    %swap3A = arith.constant 0 : index
    %swap3A_52 = arith.constant 0 : index
    %swap3A_53 = arith.constant 0 : index
    %swap3A_54 = vector.load %arg10[%swap3A, %swap3A_52, %swap3A_53] : memref<1x1x2000xf32, #tpu.memory_space<vmem>>, vector<1x1x2000xf32>
    tpu.vector_store %arg10[%swap3A, %swap3A_52, %swap3A_53], %reshape3A {strides = array<i32>} : memref<1x1x2000xf32, #tpu.memory_space<vmem>>, vector<1x1x2000xf32>,
    return
  }
  func.func @transform_0(%arg0: i32) -> (i32, i32) {
    %c0_i32 = arith.constant 0 : i32
    %c0_i32_0 = arith.constant 0 : i32
    return %arg0, %c0_i32 : i32, i32
  }
  func.func @transform_1(%arg0: i32) -> (i32, i32) {
    %c0_i32 = arith.constant 0 : i32
    %c0_i32_0 = arith.constant 0 : i32
    return %arg0, %c0_i32 : i32, i32
  }
  func.func @transform_2(%arg0: i32) -> (i32, i32) {
    %c0_i32 = arith.constant 0 : i32
    %c0_i32_0 = arith.constant 0 : i32
    return %arg0, %c0_i32 : i32, i32
  }
  func.func @transform_3(%arg0: i32) -> (i32, i32) {
    %c0_i32 = arith.constant 0 : i32
    %c0_i32_0 = arith.constant 0 : i32
    %c0_i32_1 = arith.constant 0 : i32
    return %c0_i32, %c0_i32_0 : i32, i32
  }
  func.func @transform_4(%arg0: i32) -> (i32, i32) {
    %c0_i32 = arith.constant 0 : i32
    %c0_i32_0 = arith.constant 0 : i32
    %c0_i32_1 = arith.constant 0 : i32
    return %c0_i32, %c0_i32_0 : i32, i32
  }
  func.func @transform_5(%arg0: i32) -> (i32, i32) {
    %c0_i32 = arith.constant 0 : i32
    %c0_i32_0 = arith.constant 0 : i32
    %c0_i32_1 = arith.constant 0 : i32
    return %c0_i32, %c0_i32_0 : i32, i32
  }
  func.func @transform_6(%arg0: i32) -> (i32, i32) {
    %c0_i32 = arith.constant 0 : i32
    %c0_i32_0 = arith.constant 0 : i32
    %c0_i32_1 = arith.constant 0 : i32
    return %c0_i32, %c0_i32_0 : i32, i32
  }
  func.func @transform_7(%arg0: i32) -> (i32, i32) {
    %c0_i32 = arith.constant 0 : i32
    %c0_i32_0 = arith.constant 0 : i32
    %c0_i32_1 = arith.constant 0 : i32
    return %c0_i32, %c0_i32_0 : i32, i32
  }
  func.func @transform_8(%arg0: i32) -> (i32, i32) {
    %c0_i32 = arith.constant 0 : i32
    %c0_i32_0 = arith.constant 0 : i32
    %c0_i32_1 = arith.constant 0 : i32
    return %c0_i32, %c0_i32_0 : i32, i32
  }
  func.func @transform_9(%arg0: i32) -> (i32, i32, i32) {
    %c0_i32 = arith.constant 0 : i32
    %c0_i32_0 = arith.constant 0 : i32
    %c0_i32_1 = arith.constant 0 : i32
    return %arg0, %c0_i32, %c0_i32_0 : i32, i32, i32
  }
}

module attributes {stable_mosaic.version = 14 : i64} {
  func.func @_k4b_body(%arg0: i32, %arg1: memref<32x40960xf32, #tpu.memory_space<vmem>>, %arg2: memref<1x40960xf32, #tpu.memory_space<vmem>>) attributes {dimension_semantics = [#tpu.dimension_semantics<arbitrary>], iteration_bounds = array<i64: 1>, scalar_prefetch = 0 : i64, scratch_operands = 0 : i64, tpu.core_type = #tpu.core_type<tc>, window_params = [{pipeline_mode = #tpu.pipeline_mode<synchronous>, transform_indices = @transform_0, window_bounds = array<i64: 32, 40960>}, {pipeline_mode = #tpu.pipeline_mode<synchronous>, transform_indices = @transform_1, window_bounds = array<i64: 1, 40960>}]} {
    %get3A = arith.constant 0 : index
    %get3A_0 = arith.constant 0 : index
    %get3A_1 = vector.load %arg1[%get3A, %get3A_0] : memref<32x40960xf32, #tpu.memory_space<vmem>>, vector<32x40960xf32>
    %reduce_sum3A = arith.constant dense<0.000000e+00> : vector<40960xf32>
    %reduce_sum3A_2 = vector.multi_reduction <add>, %get3A_1, %reduce_sum3A [0] : vector<32x40960xf32> to vector<40960xf32>
    %broadcast_in_dim3A = vector.shape_cast %reduce_sum3A_2 : vector<40960xf32> to vector<1x40960xf32>
    %swap3A = arith.constant 0 : index
    %swap3A_3 = arith.constant 0 : index
    %swap3A_4 = vector.load %arg2[%swap3A, %swap3A_3] : memref<1x40960xf32, #tpu.memory_space<vmem>>, vector<1x40960xf32>
    tpu.vector_store %arg2[%swap3A, %swap3A_3], %broadcast_in_dim3A {strides = array<i32>} : memref<1x40960xf32, #tpu.memory_space<vmem>>, vector<1x40960xf32>,
    return
  }
  func.func @transform_0(%arg0: i32) -> (i32, i32) {
    %c0_i32 = arith.constant 0 : i32
    %c0_i32_0 = arith.constant 0 : i32
    %c0_i32_1 = arith.constant 0 : i32
    return %c0_i32, %c0_i32_0 : i32, i32
  }
  func.func @transform_1(%arg0: i32) -> (i32, i32) {
    %c0_i32 = arith.constant 0 : i32
    %c0_i32_0 = arith.constant 0 : i32
    %c0_i32_1 = arith.constant 0 : i32
    return %c0_i32, %c0_i32_0 : i32, i32
  }
}

module attributes {stable_mosaic.version = 14 : i64} {
  func.func @_k5_body(%arg0: i32, %arg1: memref<2000x4xf32, #tpu.memory_space<vmem>>, %arg2: memref<2000x3xf32, #tpu.memory_space<vmem>>, %arg3: memref<2000x128xf32, #tpu.memory_space<vmem>>, %arg4: memref<1x16xf32, #tpu.memory_space<vmem>>, %arg5: memref<1x16xf32, #tpu.memory_space<vmem>>, %arg6: memref<16x128xf32, #tpu.memory_space<vmem>>, %arg7: memref<1x128xf32, #tpu.memory_space<vmem>>, %arg8: memref<2000x3xf32, #tpu.memory_space<vmem>>, %arg9: memref<2000x128xf32, #tpu.memory_space<vmem>>) attributes {dimension_semantics = [#tpu.dimension_semantics<arbitrary>], iteration_bounds = array<i64: 5>, scalar_prefetch = 0 : i64, scratch_operands = 0 : i64, tpu.core_type = #tpu.core_type<tc>, window_params = [{transform_indices = @transform_0, window_bounds = array<i64: 2000, 4>}, {transform_indices = @transform_1, window_bounds = array<i64: 2000, 3>}, {transform_indices = @transform_2, window_bounds = array<i64: 2000, 128>}, {pipeline_mode = #tpu.pipeline_mode<synchronous>, transform_indices = @transform_3, window_bounds = array<i64: 1, 16>}, {pipeline_mode = #tpu.pipeline_mode<synchronous>, transform_indices = @transform_4, window_bounds = array<i64: 1, 16>}, {pipeline_mode = #tpu.pipeline_mode<synchronous>, transform_indices = @transform_5, window_bounds = array<i64: 16, 128>}, {pipeline_mode = #tpu.pipeline_mode<synchronous>, transform_indices = @transform_6, window_bounds = array<i64: 1, 128>}, {transform_indices = @transform_7, window_bounds = array<i64: 2000, 3>}, {transform_indices = @transform_8, window_bounds = array<i64: 2000, 128>}]} {
    %get3A = arith.constant 0 : index
    %get3A_0 = arith.constant 0 : index
    %get3A_1 = vector.load %arg1[%get3A, %get3A_0] : memref<2000x4xf32, #tpu.memory_space<vmem>>, vector<2000x4xf32>
    %get3A_2 = arith.constant 0 : index
    %get3A_3 = arith.constant 0 : index
    %get3A_4 = vector.load %arg2[%get3A_2, %get3A_3] : memref<2000x3xf32, #tpu.memory_space<vmem>>, vector<2000x3xf32>
    %slice3A = vector.extract_strided_slice %get3A_1 {offsets = [0, 0], sizes = [2000, 3], strides = [1, 1]} : vector<2000x4xf32> to vector<2000x3xf32>
    %add3A = arith.addf %get3A_4, %slice3A : vector<2000x3xf32>
    %swap3A = arith.constant 0 : index
    %swap3A_5 = arith.constant 0 : index
    %swap3A_6 = vector.load %arg8[%swap3A, %swap3A_5] : memref<2000x3xf32, #tpu.memory_space<vmem>>, vector<2000x3xf32>
    tpu.vector_store %arg8[%swap3A, %swap3A_5], %add3A {strides = array<i32>} : memref<2000x3xf32, #tpu.memory_space<vmem>>, vector<2000x3xf32>,
    %slice3A_7 = vector.extract_strided_slice %get3A_1 {offsets = [0, 3], sizes = [2000, 1], strides = [1, 1]} : vector<2000x4xf32> to vector<2000x1xf32>
    %get3A_8 = arith.constant 0 : index
    %get3A_9 = arith.constant 0 : index
    %get3A_10 = vector.load %arg4[%get3A_8, %get3A_9] : memref<1x16xf32, #tpu.memory_space<vmem>>, vector<1x16xf32>
    %mul3A = vector.broadcast %slice3A_7 : vector<2000x1xf32> to vector<2000x16xf32>
    %mul3A_11 = vector.broadcast %get3A_10 : vector<1x16xf32> to vector<2000x16xf32>
    %mul3A_12 = arith.mulf %mul3A, %mul3A_11 : vector<2000x16xf32>
    %get3A_13 = arith.constant 0 : index
    %get3A_14 = arith.constant 0 : index
    %get3A_15 = vector.load %arg5[%get3A_13, %get3A_14] : memref<1x16xf32, #tpu.memory_space<vmem>>, vector<1x16xf32>
    %add3A_16 = vector.broadcast %get3A_15 : vector<1x16xf32> to vector<2000x16xf32>
    %add3A_17 = arith.addf %mul3A_12, %add3A_16 : vector<2000x16xf32>
    %logistic3A = arith.negf %add3A_17 : vector<2000x16xf32>
    %logistic3A_18 = math.exp %logistic3A : vector<2000x16xf32>
    %logistic3A_19 = arith.constant 1.000000e+00 : f32
    %logistic3A_20 = vector.broadcast %logistic3A_19 : f32 to vector<2000x16xf32>
    %logistic3A_21 = arith.addf %logistic3A_20, %logistic3A_18 : vector<2000x16xf32>
    %logistic3A_22 = arith.divf %logistic3A_20, %logistic3A_21 : vector<2000x16xf32>
    %mul3A_23 = arith.mulf %add3A_17, %logistic3A_22 : vector<2000x16xf32>
    %get3A_24 = arith.constant 0 : index
    %get3A_25 = arith.constant 0 : index
    %get3A_26 = vector.load %arg6[%get3A_24, %get3A_25] : memref<16x128xf32, #tpu.memory_space<vmem>>, vector<16x128xf32>
    %dot_general3A = arith.constant dense<0.000000e+00> : vector<2000x128xf32>
    %dot_general3A_27 = tpu.matmul %mul3A_23, %get3A_26, %dot_general3A {dimension_numbers = #tpu.dot_dimension_numbers<[1], [0], [0], [1], [0, 0, 1, 1], [], []>, transpose_lhs_hint = false} : vector<2000x16xf32>, vector<16x128xf32>, vector<2000x128xf32> -> vector<2000x128xf32>
    %get3A_28 = arith.constant 0 : index
    %get3A_29 = arith.constant 0 : index
    %get3A_30 = vector.load %arg7[%get3A_28, %get3A_29] : memref<1x128xf32, #tpu.memory_space<vmem>>, vector<1x128xf32>
    %add3A_31 = vector.broadcast %get3A_30 : vector<1x128xf32> to vector<2000x128xf32>
    %add3A_32 = arith.addf %dot_general3A_27, %add3A_31 : vector<2000x128xf32>
    %get3A_33 = arith.constant 0 : index
    %get3A_34 = arith.constant 0 : index
    %get3A_35 = vector.load %arg3[%get3A_33, %get3A_34] : memref<2000x128xf32, #tpu.memory_space<vmem>>, vector<2000x128xf32>
    %add3A_36 = arith.addf %get3A_35, %add3A_32 : vector<2000x128xf32>
    %swap3A_37 = arith.constant 0 : index
    %swap3A_38 = arith.constant 0 : index
    %swap3A_39 = vector.load %arg9[%swap3A_37, %swap3A_38] : memref<2000x128xf32, #tpu.memory_space<vmem>>, vector<2000x128xf32>
    tpu.vector_store %arg9[%swap3A_37, %swap3A_38], %add3A_36 {strides = array<i32>} : memref<2000x128xf32, #tpu.memory_space<vmem>>, vector<2000x128xf32>,
    return
  }
  func.func @transform_0(%arg0: i32) -> (i32, i32) {
    %c0_i32 = arith.constant 0 : i32
    %c0_i32_0 = arith.constant 0 : i32
    return %arg0, %c0_i32 : i32, i32
  }
  func.func @transform_1(%arg0: i32) -> (i32, i32) {
    %c0_i32 = arith.constant 0 : i32
    %c0_i32_0 = arith.constant 0 : i32
    return %arg0, %c0_i32 : i32, i32
  }
  func.func @transform_2(%arg0: i32) -> (i32, i32) {
    %c0_i32 = arith.constant 0 : i32
    %c0_i32_0 = arith.constant 0 : i32
    return %arg0, %c0_i32 : i32, i32
  }
  func.func @transform_3(%arg0: i32) -> (i32, i32) {
    %c0_i32 = arith.constant 0 : i32
    %c0_i32_0 = arith.constant 0 : i32
    %c0_i32_1 = arith.constant 0 : i32
    return %c0_i32, %c0_i32_0 : i32, i32
  }
  func.func @transform_4(%arg0: i32) -> (i32, i32) {
    %c0_i32 = arith.constant 0 : i32
    %c0_i32_0 = arith.constant 0 : i32
    %c0_i32_1 = arith.constant 0 : i32
    return %c0_i32, %c0_i32_0 : i32, i32
  }
  func.func @transform_5(%arg0: i32) -> (i32, i32) {
    %c0_i32 = arith.constant 0 : i32
    %c0_i32_0 = arith.constant 0 : i32
    %c0_i32_1 = arith.constant 0 : i32
    return %c0_i32, %c0_i32_0 : i32, i32
  }
  func.func @transform_6(%arg0: i32) -> (i32, i32) {
    %c0_i32 = arith.constant 0 : i32
    %c0_i32_0 = arith.constant 0 : i32
    %c0_i32_1 = arith.constant 0 : i32
    return %c0_i32, %c0_i32_0 : i32, i32
  }
  func.func @transform_7(%arg0: i32) -> (i32, i32) {
    %c0_i32 = arith.constant 0 : i32
    %c0_i32_0 = arith.constant 0 : i32
    return %arg0, %c0_i32 : i32, i32
  }
  func.func @transform_8(%arg0: i32) -> (i32, i32) {
    %c0_i32 = arith.constant 0 : i32
    %c0_i32_0 = arith.constant 0 : i32
    return %arg0, %c0_i32 : i32, i32
  }
}

</mosaic_0001>

<sc_bundles>
// kernel: kernel.11.cloned.1.call-start
scs
__scs_entry_jumppad:
0x0: {  	(pc) =	sbr.rel $0x88, $3  }
0x1: {  	(tag) =	ssettag $0x0;
	lr =	simm.s32 $0x1  }
0x2: {  	[smem:$0x3F91] =	sst lr;
	_ =	strace $0xD0000000  }
0x3: {  	_ = 	snop  }
0x4: {  	_ = 	snop  }
0x5: {  	_ = 	snop  }
0x6: {  	_ = 	snop  }
0x7: {  	_ = 	snop  }
__scs_overlays_trampoline_lowered:
0x8: {  	[smem:$0x3FA0] =	sst s0  }
0x9: {  	[smem:$0x3FA1] =	sst s1  }
0xa: {  	[smem:$0x3FA2] =	sst s2  }
0xb: {  	[smem:$0x3FA3] =	sst s3  }
0xc: {  	[smem:$0x3FA4] =	sst s4  }
0xd: {  	[smem:$0x3FA5] =	sst s5  }
0xe: {  	[smem:$0x3FA6] =	sst s6  }
0xf: {  	[smem:$0x3FA7] =	sst s7  }
0x10: {  	[smem:$0x3FA8] =	sst s8  }
0x11: {  	[smem:$0x3FA9] =	sst s9;
	s0 =	simm.s32 @!p0 $0x0  }
0x12: {  	s1 =	sld [smem:$0x3F8F];
	s0 =	simm.s32 @p0 $0x1  }
0x13: {  	[smem:$0x3FAA] =	sst s0;
	s0 =	simm.s32 @!p1 $0x0  }
0x14: {  	s2 =	sld [smem:$0x3F8E];
	s0 =	simm.s32 @p1 $0x1  }
0x15: {  	[smem:$0x3FAB] =	sst s0;
	s0 =	simm.s32 @!p2 $0x0  }
0x16: {  	s3 =	sld [smem:$0x3FDB];
	s0 =	simm.s32 @p2 $0x1  }
0x17: {  	s4 =	simm.s32 $0x1BF5;
	[smem:$0x3FAD] =	sst s0  }
0x18: {  	s0 =	sld [smem:$0x3F90];
	_ =	swait.ge [sflag:s4], $0x0  }
0x19: {  	s7 =	sld [smem:$0x3F91]  }
0x1a: {  	s8 =	sadd.s32 $0xFFFFE003, lr  }
0x1b: {  	s9 =	sadd.s32 $0xFFFFFEF7, lr;
	s5 =	simm.s32 $0xFFFFFFFF;
	p2 =	slt.u32 s8, $0xFFFFF086  }
0x1c: {  	p1 =	slt.u32 s9, $0xF7A;
	s5 =	simm.s32 @!p2 $0x0  }
0x1d: {  	s5 =	simm.s32 @p1 $0x1;
	p0 =	seq.s32 s7, s2  }
0x1e: {  	s7 =	smul.u32 @!p0 $0xF7A, s2;
	p2 =	seq.s32 @!p0 s5, $0x0  }
0x1f: {  	s9 =	smul.u32 $0xF7A, s1;
	s8 =	simm.s32 @!p0 $0x1BF5;
	p2 =	por !p2, p0  }
0x20: {  	[sflag:s8] =	ssyncset.s32 @!p0 $0xFFFFF086;
	s6 =	sadd.s32 @!p0 s3, s7;
	s7 =	simm.s32 @!p0 $0x108  }
0x21: {  	s3 =	sadd.s32 s3, s9;
	s6 =	sadd.s32 @!p0 $0x88, s6;
	s7 =	simm.s32 @p2 $0x1082  }
0x22: {  	[simem:s7], [sflag:s8] =	dma.local @!p0 [hbm:s6], $0xF7A  }
0x23: {  	s9 =	sor.u32 $0xD0000000, s2;
	s6 =	simm.s32 $0x108;
	_ =	swait.ge @!p0 [sflag:s8], $0x0  }
0x24: {  	s3 =	sadd.s32 $0x88, s3;
	s6 =	simm.s32 @!p1 $0x1082;
	[sflag:s4] =	ssyncset.s32 $0xFFFFF086  }
0x25: {  	[simem:s6], [sflag:s4] =	dma.local [hbm:s3], $0xF7A  }
0x26: {  	[smem:$0x3F91] =	sst s1;
	(tag) =	ssettag s2;
	_ =	strace s9  }
0x27: {  	s1 =	sld [smem:$0x3FA1]  }
0x28: {  	s2 =	sld [smem:$0x3FA2]  }
0x29: {  	s4 =	sld [smem:$0x3FA4]  }
0x2a: {  	p0 =	seq.s32 s5, $0x0;
	s5 =	sld [smem:$0x3FA5]  }
0x2b: {  	s6 =	sld [smem:$0x3FA6]  }
0x2c: {  	s7 =	sld [smem:$0x3FA7]  }
0x2d: {  	s3 =	simm.s32 $0x108;
	s8 =	sld [smem:$0x3FA8]  }
0x2e: {  	s3 =	simm.s32 @!p0 $0x1082;
	s9 =	sld [smem:$0x3FA9]  }
0x2f: {  	lr =	sadd.s32 s0, s3;
	s0 =	sld [smem:$0x3FA0]  }
0x30: {  	s3 =	sld [smem:$0x3FA3]  }
0x31: {  	[smem:$0x3FAC] =	sst s10  }
0x32: {  	s10 =	sld [smem:$0x3FAA];
	_ =	sdelay $0x3  }
0x33: {  	p0 =	seq.s32 s10, $0x1;
	s10 =	sld [smem:$0x3FAC];
	_ =	sdelay $0x3  }
0x34: {  	[smem:$0x3FAC] =	sst s10  }
0x35: {  	s10 =	sld [smem:$0x3FAB];
	_ =	sdelay $0x3  }
0x36: {  	p1 =	seq.s32 s10, $0x1;
	s10 =	sld [smem:$0x3FAC];
	_ =	sdelay $0x3  }
0x37: {  	[smem:$0x3FAC] =	sst s10  }
0x38: {  	s10 =	sld [smem:$0x3FAD]  }
0x39: {  	_ = 	snop;
	(pc) =	sbr.ind lr, $3  }
0x3a: {  	_ = 	snop  }
0x3b: {  	_ = 	snop  }
0x3c: {  	p2 =	seq.s32 s10, $0x1;
	s10 =	sld [smem:$0x3FAC]  }
0x3d: {  	_ =	shalt  }
0x3e: {  	_ =	shalt  }
0x3f: {  	_ =	shalt  }
0x40: {  	_ =	shalt  }
0x41: {  	_ =	shalt  }
0x42: {  	_ =	shalt  }
0x43: {  	_ =	shalt  }
0x44: {  	_ =	shalt  }
0x45: {  	_ =	shalt  }
0x46: {  	_ =	shalt  }
0x47: {  	_ =	shalt  }
0x48: {  	_ =	shalt  }
0x49: {  	_ =	shalt  }
0x4a: {  	_ =	shalt  }
0x4b: {  	_ =	shalt  }
0x4c: {  	_ =	shalt  }
0x4d: {  	_ =	shalt  }
0x4e: {  	_ =	shalt  }
0x4f: {  	_ =	shalt  }
0x50: {  	_ =	shalt  }
0x51: {  	_ =	shalt  }
0x52: {  	_ =	shalt  }
0x53: {  	_ =	shalt  }
0x54: {  	_ =	shalt  }
0x55: {  	_ =	shalt  }
0x56: {  	_ =	shalt  }
0x57: {  	_ =	shalt  }
0x58: {  	_ =	shalt  }
0x59: {  	_ =	shalt  }
0x5a: {  	_ =	shalt  }
0x5b: {  	_ =	shalt  }
0x5c: {  	_ =	shalt  }
0x5d: {  	_ =	shalt  }
0x5e: {  	_ =	shalt  }
0x5f: {  	_ =	shalt  }
0x60: {  	_ =	shalt  }
0x61: {  	_ =	shalt  }
0x62: {  	_ =	shalt  }
0x63: {  	_ =	shalt  }
0x64: {  	_ =	shalt  }
0x65: {  	_ =	shalt  }
0x66: {  	_ =	shalt  }
0x67: {  	_ =	shalt  }
0x68: {  	_ =	shalt  }
0x69: {  	_ =	shalt  }
0x6a: {  	_ =	shalt  }
0x6b: {  	_ =	shalt  }
0x6c: {  	_ =	shalt  }
0x6d: {  	_ =	shalt  }
0x6e: {  	_ =	shalt  }
0x6f: {  	_ =	shalt  }
0x70: {  	_ =	shalt  }
0x71: {  	_ =	shalt  }
0x72: {  	_ =	shalt  }
0x73: {  	_ =	shalt  }
0x74: {  	_ =	shalt  }
0x75: {  	_ =	shalt  }
0x76: {  	_ =	shalt  }
0x77: {  	_ =	shalt  }
0x78: {  	_ =	shalt  }
0x79: {  	_ =	shalt  }
0x7a: {  	_ =	shalt  }
0x7b: {  	_ =	shalt  }
0x7c: {  	_ =	shalt  }
0x7d: {  	_ =	shalt  }
0x7e: {  	_ =	shalt  }
0x7f: {  	_ =	shalt  }
0x80: {  	_ =	shalt  }
0x81: {  	_ =	shalt  }
0x82: {  	_ =	shalt  }
0x83: {  	_ =	shalt  }
0x84: {  	_ =	shalt  }
0x85: {  	_ =	shalt  }
0x86: {  	_ =	shalt  }
0x87: {  	_ =	shalt  }
.Lfunc_end0:
.L_simem_size_0:
called_computation.1_lowered:
.L_overlay_start_0:
0x88: {  	s2 =	sld [smem:$0x3FD9]  }
0x89: {  	s3 =	sld [smem:$0x3FFE];
	_ =	sdelay $0x1  }
0x8a: {  	s1 =	srdreg.scid  }
0x8b: {  	s0 =	sand.u32 $0x1, s1  }
0x8c: {  	s14 =	sshll.u32 s0, $0xA;
	s2 =	sadd.s32 s3, s2  }
0x8d: {  	s2 =	sadd.s32 s2, s14  }
0x8e: {  	[smem:$0x3FB8] =	sst s2  }
0x8f: {  	_ = 	snop  }
0x90: {  	s2 =	sld [smem:$0x3FD0];
	_ =	sdelay $0x2  }
0x91: {  	s15 =	simm.s32 $0xA;
	s4 =	simm.s32 $0x10  }
0x92: {  	[smem:s4], [sflag:s15] =	dma.local [hbm:s2], $0x1  }
0x93: {  	_ =	swait.eq [sflag:s15], $0x1  }
0x94: {  	[sflag:s15] =	ssyncset.done $0x0  }
0x95: {  	s16 =	sld [smem:$0x10];
	[sflag:s15] =	ssyncadd.s32 $0xFFFFFFFF  }
0x96: {  	s17 =	sld [smem:$0x11];
	(tm) =	ssettm $0x1  }
0x97: {  	s18 =	sld [smem:$0x3FFB];
	_ =	sdelay $0x3  }
0x98: {  	_ =	strace s18  }
0x99: {  	s4 =	sld [smem:$0x3FFC];
	_ =	sdelay $0x3  }
0x9a: {  	_ =	strace s4  }
0x9b: {  	s4 =	sld [smem:$0x3FFD];
	_ =	sdelay $0x3  }
0x9c: {  	_ =	strace s4  }
0x9d: {  	_ =	strace $0x8FFFFFFF  }
0x9e: {  	s19 =	sld [smem:$0x3FDB];
	_ =	sdelay $0x1  }
0x9f: {  	s5 =	simm.s32 $_scs_section_size  }
0xa0: {  	s6 =	simm.s32 $_size__tile_overlayer_lowered;
	s7 =	simm.s32 $_tile_overlayer_lowered  }
0xa1: {  	s22 =	simm.s32 $0x1BFF;
	s21 =	sshll.u32 s7, $0x1;
	s4 =	sadd.s32 s5, s19  }
0xa2: {  	s8 =	simm.s32 $0x0;
	s20 =	sshll.u32 s6, $0x1;
	s6 =	sadd.s32 s21, s4  }
0xa3: {  	[timem:s8], [sflag:s22] =	dma.local [hbm:s6], s20  }
0xa4: {  	_ =	swait.ge [sflag:s22], s20  }
0xa5: {  	s5 =	ssub.s32 $0x0, s20;
	[sflag:s22] =	ssyncset.done $0x0  }
0xa6: {  	[sflag:s22] =	ssyncadd.s32 s5;
	_ =	sdelay $0x1  }
0xa7: {  	s23 =	simm.s32 $0x1B8B  }
0xa8: {  	_ =	swait.ge [sflag:s23], $0x1  }
0xa9: {  	[sflag:s23] =	ssyncset.done $0x0  }
0xaa: {  	s25 =	simm.s32 $0x1B8E;
	s24 =	sld [smem:$0x3FFE];
	[sflag:s23] =	ssyncadd.s32 $0xFFFFFFFF  }
0xab: {  	s26 =	simm.s32 $execute0_lowered;
	[smem:$0x3FD2] =	sst s25  }
0xac: {  	s6 =	sshll.u32 s26, $0x1;
	_ =	strace $0x80000049;
	[dreg:$0x1] =	wrdreg $0xFFFFFFFF  }
0xad: {  	s28 =	simm.s32 $_size_execute0_lowered;
	s4 =	sadd.s32 s4, s6;
	[dreg:$0x0] =	wrdreg $0x0  }
0xae: {  	s6 =	sshll.u32 s28, $0x1;
	[dreg:$0x2] =	wrdreg s4  }
0xaf: {  	[dreg:$0x3] =	wrdreg s6  }
0xb0: {  	[dreg:$0x4] =	wrdreg $0xC0  }
0xb1: {  	_ =	task [dreg:s8], $0x5FFFF  }
0xb2: {  	[dreg:$0x1] =	wrdreg $0xFFFFFFFF  }
0xb3: {  	[dreg:$0x0] =	wrdreg $0x60  }
0xb4: {  	[dreg:$0x2] =	wrdreg s17  }
0xb5: {  	[dreg:$0x3] =	wrdreg s24  }
0xb6: {  	[dreg:$0x4] =	wrdreg s16  }
0xb7: {  	[dreg:$0x5] =	wrdreg $0x9  }
0xb8: {  	_ =	task.clear_ibuf [dreg:s8], $0x6FFFF;
	_ =	strace $0x90000049  }
0xb9: {  	s29 =	simm.s32 $0x9;
	_ =	strace $0x8000004B  }
0xba: {  	_ =	swait.ge [sflag:s29], $0x1  }
0xbb: {  	[sflag:s29] =	ssyncadd.s32 $0xFFFFFFFF  }
0xbc: {  	_ =	strace $0x9000004B  }
0xbd: {  	_ =	sfence  }
0xbe: {  	s30 =	sld [smem:$0x0];
	_ =	sdelay $0x2  }
0xbf: {  	s31 =	sshll.u32 s1, $0xD;
	s1 =	sshrl.u32 s1, $0x2  }
0xc0: {  	s3 =	sand.u32 $0x4000, s31;
	s1 =	sadd.s32 s1, s30  }
0xc1: {  	s0 =	sor.u32 s3, s0;
	s1 =	sshll.u32 s1, $0x11  }
0xc2: {  	s0 =	sor.u32 s1, s0  }
0xc3: {  	s0 =	sadd.s32 $0x8F2B, s0  }
0xc4: {  	[sflag:s0] =	ssyncadd.remote.s32 $0x1  }
0xc5: {  	_ =	sfence.sel $0xFFFF  }
0xc6: {  	[dreg:$0x0] =	wrdreg $0xFFFFFFFF;
	(pc) =	sbr.abs _section_cstart, $3  }
0xc7: {  	[dreg:$0x1] =	wrdreg $0xFFFFFFFF  }
0xc8: {  	_ =	task.clear_ibuf [dreg:s8], $0x2FFFF;
	_ =	strace $0x9FFFFFFF  }
0xc9: {  	(tm) =	ssettm $0x7FFFFFFF  }
tec
execute0_lowered:
.L_overlay_start_1:
0x0: {  	(tag) =	ssettag $0x1  }
0x1: {  	s1 =	rddreg [dreg:$0x0]  }
0x2: {  	s10 =	rddreg [dreg:$0x1]  }
0x3: {  	s3 =	rddreg [dreg:$0x2];
	s4 =	simm.s32 $0x0  }
0x4: {  	s5 =	srdreg.scid;
	s2 =	stileid.u32;
	s17 =	simm.s32 $0x2  }
0x5: {  	s18 =	simm.s32 $0x5800;
	s19 =	simm.s32 $0x8000;
	s20 =	simm.s32 $0xA800  }
0x6: {  	s21 =	simm.s32 $0x800;
	s22 =	simm.s32 $0x1000;
	s23 =	simm.s32 $0x1800  }
0x7: {  	s24 =	simm.s32 $0x2000;
	s25 =	simm.s32 $0x2800;
	s26 =	simm.s32 $0x1  }
0x8: {  	s28 =	simm.s32 $0x0;
	s8 =	sand.u32 $0x1, s5;
	s31 =	sshll.u32 s2, $0x1  }
0x9: {  	[smem:$0x7FF] =	sst s4;
	s5 =	sadd.s32 $0xA27C00, s10;
	s11 =	sor.u32 s8, s31  }
0xa: {  	s6 =	sadd.s32 $0xA1DE00, s10;
	s12 =	ssub.s32 $0x2, s8;
	s9 =	smul.u32 $0xA000, s11  }
0xb: {  	s7 =	sadd.s32 $0xA14000, s10;
	_ =	strace $0x8000004A;
	s14 =	sshrl.u32 s12, $0x1  }
0xc: {  	s8 =	sadd.s32 $0xA0A200, s10;
	s16 =	ssub.s32 s12, s14;
	s13 =	sshrl.u32 s9, $0x3  }
0xd: {  	s9 =	sadd.s32 $0x1800, s10;
	s15 =	sadd.s32 s13, s10;
	s10 =	smul.u32 $0x2710, s11  }
0xe: {  	s11 =	sadd.s32 $0xB600, s15;
	s12 =	sadd.s32 $0xBB00, s15;
	s13 =	sadd.s32 $0xC000, s15  }
0xf: {  	s14 =	sadd.s32 $0xC500, s15;
	s15 =	smax.u32 s16, $0x1;
	s16 =	simm.s32 $0x3000  }
.LBB2_1:
0x10: {  	[tilespmem:s16], [sflag:$0x2] =	stream.linear.gather [hbm4b:s3+s4], $0x2800, $0x38;
	[tilespmem:$0xD000] =	vst v63  }
0x11: {  	_ =	swait.ge [sflag:s17], $0x2800  }
0x12: {  	[sflag:s17] =	ssyncset.done $0x0  }
0x13: {  	[sflag:s17] =	ssyncadd.s32 $0xFFFFD800  }
0x14: {  	[tilespmem:s18], [sflag:$0x2] =	stream.linear.gather [hbm4b:s3+s4], $0x2800, $0x38;
	[tilespmem:$0xD000] =	vst v63  }
0x15: {  	_ =	swait.ge [sflag:s17], $0x2800  }
0x16: {  	[sflag:s17] =	ssyncset.done $0x0  }
0x17: {  	[sflag:s17] =	ssyncadd.s32 $0xFFFFD800  }
0x18: {  	[tilespmem:s19], [sflag:$0x2] =	stream.linear.gather [hbm4b:s3+s4], $0x2800, $0x38;
	[tilespmem:$0xD000] =	vst v63  }
0x19: {  	_ =	swait.ge [sflag:s17], $0x2800  }
0x1a: {  	[sflag:s17] =	ssyncset.done $0x0  }
0x1b: {  	[sflag:s17] =	ssyncadd.s32 $0xFFFFD800  }
0x1c: {  	[tilespmem:s20], [sflag:$0x2] =	stream.linear.gather [hbm4b:s3+s4], $0x2800, $0x38;
	[tilespmem:$0xD000] =	vst v63  }
0x1d: {  	_ =	swait.ge [sflag:s17], $0x2800  }
0x1e: {  	[sflag:s17] =	ssyncset.done $0x0  }
0x1f: {  	s29 =	simm.s32 $0x0;
	[sflag:s17] =	ssyncadd.s32 $0xFFFFD800  }
.LBB2_2:
0x20: {  	s30 =	smul.u32 $0x7D0, s29;
	_ =	sdelay $0x1  }
0x21: {  	s30 =	sadd.s32 s10, s30  }
0x22: {  	s30 =	sshrl.u32 s30, $0x3  }
0x23: {  	s0 =	simm.s32 $0x0;
	s31 =	sadd.s32 s9, s30  }
0x24: {  	[tilespmem:s0], [sflag:$0x1] =	stream.linear.gather [hbm4b:s31+s0], $0x7D0, $0x38;
	[tilespmem:$0xD000] =	vst v63  }
0x25: {  	s31 =	sadd.s32 s1, s30  }
0x26: {  	[tilespmem:s21], [sflag:$0x1] =	stream.linear.gather [hbm4b:s31+s0], $0x7D0, $0x38;
	[tilespmem:$0xD000] =	vst v63  }
0x27: {  	s31 =	sadd.s32 s5, s30  }
0x28: {  	[tilespmem:s22], [sflag:$0x1] =	stream.linear.gather [hbm4b:s31+s0], $0x7D0, $0x38;
	[tilespmem:$0xD000] =	vst v63  }
0x29: {  	s31 =	sadd.s32 s6, s30  }
0x2a: {  	[tilespmem:s23], [sflag:$0x1] =	stream.linear.gather [hbm4b:s31+s0], $0x7D0, $0x38;
	[tilespmem:$0xD000] =	vst v63  }
0x2b: {  	s31 =	sadd.s32 s7, s30  }
0x2c: {  	[tilespmem:s24], [sflag:$0x1] =	stream.linear.gather [hbm4b:s31+s0], $0x7D0, $0x38;
	[tilespmem:$0xD000] =	vst v63  }
0x2d: {  	s30 =	sadd.s32 s8, s30  }
0x2e: {  	[tilespmem:s25], [sflag:$0x1] =	stream.linear.gather [hbm4b:s30+s0], $0x7D0, $0x38;
	[tilespmem:$0xD000] =	vst v63  }
0x2f: {  	_ =	swait.ge [sflag:s26], $0x7D0  }
0x30: {  	[sflag:s26] =	ssyncset.done $0x0  }
0x31: {  	[sflag:s26] =	ssyncadd.s32 $0xFFFFF830  }
0x32: {  	_ =	swait.ge [sflag:s26], $0x7D0  }
0x33: {  	[sflag:s26] =	ssyncset.done $0x0  }
0x34: {  	[sflag:s26] =	ssyncadd.s32 $0xFFFFF830  }
0x35: {  	_ =	swait.ge [sflag:s26], $0x7D0  }
0x36: {  	[sflag:s26] =	ssyncset.done $0x0  }
0x37: {  	[sflag:s26] =	ssyncadd.s32 $0xFFFFF830  }
0x38: {  	_ =	swait.ge [sflag:s26], $0x7D0  }
0x39: {  	[sflag:s26] =	ssyncset.done $0x0  }
0x3a: {  	[sflag:s26] =	ssyncadd.s32 $0xFFFFF830  }
0x3b: {  	_ =	swait.ge [sflag:s26], $0x7D0  }
0x3c: {  	[sflag:s26] =	ssyncset.done $0x0  }
0x3d: {  	[sflag:s26] =	ssyncadd.s32 $0xFFFFF830  }
0x3e: {  	_ =	swait.ge [sflag:s26], $0x7D0  }
0x3f: {  	[sflag:s26] =	ssyncset.done $0x0  }
0x40: {  	s31 =	simm.s32 $0x0;
	[sflag:s26] =	ssyncadd.s32 $0xFFFFF830  }
0x41: {  	v1 =	vld [tilespmem:s31+$0x800]  }
0x42: {  	v0 =	vld [tilespmem:s31+$0x0]  }
0x43: {  	v2 =	vld [tilespmem:s31+$0x1000];
	_ =	sdelay $0x4  }
0x44: {  	v2 =	vmul.f32 v2, v1;
	_ =	sdelay $0x1  }
0x45: {  	[tilespmem:v0+s16+$0x0] =	vst.idx.add.f32.msk $0xffff, v2  }
0x46: {  	v2 =	vld [tilespmem:s31+$0x1800];
	_ =	sdelay $0x4  }
0x47: {  	v2 =	vmul.f32 v2, v1;
	_ =	sdelay $0x1  }
0x48: {  	[tilespmem:v0+s18+$0x0] =	vst.idx.add.f32.msk $0xffff, v2  }
0x49: {  	v2 =	vld [tilespmem:s31+$0x2000];
	_ =	sdelay $0x4  }
0x4a: {  	v1 =	vmul.f32 v2, v1;
	_ =	sdelay $0x1  }
0x4b: {  	[tilespmem:v0+s19+$0x0] =	vst.idx.add.f32.msk $0xffff, v1  }
0x4c: {  	s30 =	simm.s32 $0x40;
	v1 =	vld [tilespmem:s31+$0x2800]  }
.LBB2_3:
0x4d: {  	_ =	sdelay $0x2  }
0x4e: {  	p0 =	sne.s32 s30, $0x1F00;
	s0 =	smov.u32 s30;
	s30 =	sadd.s32 $0x40, s30  }
0x4f: {  	s0 =	sshra.s32 s0, $0x2;
	[tilespmem:v0+s20+$0x0] =	vst.idx.add.f32.msk $0xffff, v1  }
0x50: {  	v1 =	vld [tilespmem:s0+$0x800]  }
0x51: {  	v0 =	vld [tilespmem:s0+$0x0]  }
0x52: {  	v2 =	vld [tilespmem:s0+$0x1000];
	_ =	sdelay $0x4  }
0x53: {  	v2 =	vmul.f32 v2, v1;
	_ =	sdelay $0x1  }
0x54: {  	[tilespmem:v0+s16+$0x0] =	vst.idx.add.f32.msk $0xffff, v2  }
0x55: {  	v2 =	vld [tilespmem:s0+$0x1800];
	_ =	sdelay $0x4  }
0x56: {  	v2 =	vmul.f32 v2, v1;
	_ =	sdelay $0x1  }
0x57: {  	[tilespmem:v0+s18+$0x0] =	vst.idx.add.f32.msk $0xffff, v2  }
0x58: {  	v2 =	vld [tilespmem:s0+$0x2000];
	_ =	sdelay $0x3  }
.Ltmp0:
0x59: {  	(pc) =	sbr.rel @p0 .LBB2_3-.Ltmp0, $3  }
0x5a: {  	v1 =	vmul.f32 v2, v1;
	_ =	sdelay $0x1  }
0x5b: {  	[tilespmem:v0+s19+$0x0] =	vst.idx.add.f32.msk $0xffff, v1  }
0x5c: {  	v1 =	vld [tilespmem:s0+$0x2800]  }
0x5d: {  	s29 =	sadd.s32 $0x1, s29  }
0x5e: {  	p0 =	sne.s32 s29, $0x5  }
.Ltmp1:
0x5f: {  	_ = 	snop;
	(pc) =	sbr.rel @p0 .LBB2_2-.Ltmp1, $2  }
0x60: {  	_ =	sdelay $0x2  }
0x61: {  	[tilespmem:v0+s20+$0x0] =	vst.idx.add.f32.msk $0xffff, v1  }
0x62: {  	[hbm4b:s11+s4] =	stream.linear.scatter [tilespmem:s16], [sflag:$0x2], $0x2800, $0x38;
	[tilespmem:$0xD000] =	vst v63  }
0x63: {  	_ =	swait.ge [sflag:s17], $0x2800  }
0x64: {  	[sflag:s17] =	ssyncset.done $0x0  }
0x65: {  	[sflag:s17] =	ssyncadd.s32 $0xFFFFD800  }
0x66: {  	[hbm4b:s12+s4] =	stream.linear.scatter [tilespmem:s18], [sflag:$0x2], $0x2800, $0x38;
	[tilespmem:$0xD000] =	vst v63  }
0x67: {  	_ =	swait.ge [sflag:s17], $0x2800  }
0x68: {  	[sflag:s17] =	ssyncset.done $0x0  }
0x69: {  	[sflag:s17] =	ssyncadd.s32 $0xFFFFD800  }
0x6a: {  	[hbm4b:s13+s4] =	stream.linear.scatter [tilespmem:s19], [sflag:$0x2], $0x2800, $0x38;
	[tilespmem:$0xD000] =	vst v63  }
0x6b: {  	s28 =	sadd.s32 $0x1, s28;
	_ =	swait.ge [sflag:s17], $0x2800  }
0x6c: {  	p0 =	sne.s32 s28, s15;
	[sflag:s17] =	ssyncset.done $0x0  }
.Ltmp2:
0x6d: {  	[sflag:s17] =	ssyncadd.s32 $0xFFFFD800;
	(pc) =	sbr.rel @p0 .LBB2_1-.Ltmp2, $4  }
0x6e: {  	[hbm4b:s14+s4] =	stream.linear.scatter [tilespmem:s20], [sflag:$0x2], $0x2800, $0x38;
	[tilespmem:$0xD000] =	vst v63  }
0x6f: {  	_ =	swait.ge [sflag:s17], $0x2800  }
0x70: {  	[sflag:s17] =	ssyncset.done $0x0  }
0x71: {  	[sflag:s17] =	ssyncadd.s32 $0xFFFFD800  }
0x72: {  	_ =	sfence.sel $0x180000  }
0x73: {  	[bflag:$0x0] =	sbarrier.arrive $0xFFFF  }
0x74: {  	_ =	strace $0x9000004A  }
0x75: {  	[bflag:$0x2] =	sbarrier.arrive $0xFFFF  }
0x76: {  	p0 =	sne.s32 s2, $0x0;
	s0 =	rddreg [dreg:$0x3]  }
0x77: {  	s0 =	sadd.s32 @!p0 $0x100000, s0  }
0x78: {  	[sflag:s0] =	ssyncadd.tile.s32 @!p0 $0x1;
	_ =	shalt  }
.Lfunc_end2:
_tile_overlayer_lowered:
.L_overlay_start_2:
0x79: {  	(tag) =	ssettag $0x2  }
0x7a: {  	s0 =	rddreg [dreg:$0x0];
	s2 =	stileid.u32  }
0x7b: {  	s1 =	rddreg [dreg:$0x1];
	p0 =	sne.s32 s2, $0x0  }
0x7c: {  	s3 =	rddreg [dreg:$0x2];
	[bflag:$0x3] =	sbarrier.arrive $0xFFFF;
	s2 =	simm.s32 @!p0 $0x1C02  }
0x7d: {  	[timem:s3], [sflag:s2] =	dma.local @!p0 [hbm:s0], s1  }
0x7e: {  	s0 =	simm.s32 @!p0 $0x2  }
0x7f: {  	_ =	swait.ge @!p0 [sflag:s0], s1  }
0x80: {  	s1 =	ssub.s32 @!p0 $0x0, s1;
	[sflag:s0] =	ssyncset.done @!p0 $0x0  }
0x81: {  	[sflag:s0] =	ssyncadd.s32 @!p0 s1  }
0x82: {  	[bflag:$0x3] =	sbarrier.arrive $0xFFFF  }
0x83: {  	_ =	shalt  }

// kernel: kernel.8.cloned.1.call-start
scs
__scs_entry_jumppad:
0x0: {  	(pc) =	sbr.rel $0x88, $3  }
0x1: {  	(tag) =	ssettag $0x0;
	lr =	simm.s32 $0x1  }
0x2: {  	[smem:$0x3F91] =	sst lr;
	_ =	strace $0xD0000000  }
0x3: {  	_ = 	snop  }
0x4: {  	_ = 	snop  }
0x5: {  	_ = 	snop  }
0x6: {  	_ = 	snop  }
0x7: {  	_ = 	snop  }
__scs_overlays_trampoline_lowered:
0x8: {  	[smem:$0x3FA0] =	sst s0  }
0x9: {  	[smem:$0x3FA1] =	sst s1  }
0xa: {  	[smem:$0x3FA2] =	sst s2  }
0xb: {  	[smem:$0x3FA3] =	sst s3  }
0xc: {  	[smem:$0x3FA4] =	sst s4  }
0xd: {  	[smem:$0x3FA5] =	sst s5  }
0xe: {  	[smem:$0x3FA6] =	sst s6  }
0xf: {  	[smem:$0x3FA7] =	sst s7  }
0x10: {  	[smem:$0x3FA8] =	sst s8  }
0x11: {  	[smem:$0x3FA9] =	sst s9;
	s0 =	simm.s32 @!p0 $0x0  }
0x12: {  	s1 =	sld [smem:$0x3F8F];
	s0 =	simm.s32 @p0 $0x1  }
0x13: {  	[smem:$0x3FAA] =	sst s0;
	s0 =	simm.s32 @!p1 $0x0  }
0x14: {  	s2 =	sld [smem:$0x3F8E];
	s0 =	simm.s32 @p1 $0x1  }
0x15: {  	[smem:$0x3FAB] =	sst s0;
	s0 =	simm.s32 @!p2 $0x0  }
0x16: {  	s3 =	sld [smem:$0x3FDB];
	s0 =	simm.s32 @p2 $0x1  }
0x17: {  	s4 =	simm.s32 $0x1BF5;
	[smem:$0x3FAD] =	sst s0  }
0x18: {  	s0 =	sld [smem:$0x3F90];
	_ =	swait.ge [sflag:s4], $0x0  }
0x19: {  	s7 =	sld [smem:$0x3F91]  }
0x1a: {  	s8 =	sadd.s32 $0xFFFFE003, lr  }
0x1b: {  	s9 =	sadd.s32 $0xFFFFFEF7, lr;
	s5 =	simm.s32 $0xFFFFFFFF;
	p2 =	slt.u32 s8, $0xFFFFF086  }
0x1c: {  	p1 =	slt.u32 s9, $0xF7A;
	s5 =	simm.s32 @!p2 $0x0  }
0x1d: {  	s5 =	simm.s32 @p1 $0x1;
	p0 =	seq.s32 s7, s2  }
0x1e: {  	s7 =	smul.u32 @!p0 $0xF7A, s2;
	p2 =	seq.s32 @!p0 s5, $0x0  }
0x1f: {  	s9 =	smul.u32 $0xF7A, s1;
	s8 =	simm.s32 @!p0 $0x1BF5;
	p2 =	por !p2, p0  }
0x20: {  	[sflag:s8] =	ssyncset.s32 @!p0 $0xFFFFF086;
	s6 =	sadd.s32 @!p0 s3, s7;
	s7 =	simm.s32 @!p0 $0x108  }
0x21: {  	s3 =	sadd.s32 s3, s9;
	s6 =	sadd.s32 @!p0 $0x88, s6;
	s7 =	simm.s32 @p2 $0x1082  }
0x22: {  	[simem:s7], [sflag:s8] =	dma.local @!p0 [hbm:s6], $0xF7A  }
0x23: {  	s9 =	sor.u32 $0xD0000000, s2;
	s6 =	simm.s32 $0x108;
	_ =	swait.ge @!p0 [sflag:s8], $0x0  }
0x24: {  	s3 =	sadd.s32 $0x88, s3;
	s6 =	simm.s32 @!p1 $0x1082;
	[sflag:s4] =	ssyncset.s32 $0xFFFFF086  }
0x25: {  	[simem:s6], [sflag:s4] =	dma.local [hbm:s3], $0xF7A  }
0x26: {  	[smem:$0x3F91] =	sst s1;
	(tag) =	ssettag s2;
	_ =	strace s9  }
0x27: {  	s1 =	sld [smem:$0x3FA1]  }
0x28: {  	s2 =	sld [smem:$0x3FA2]  }
0x29: {  	s4 =	sld [smem:$0x3FA4]  }
0x2a: {  	p0 =	seq.s32 s5, $0x0;
	s5 =	sld [smem:$0x3FA5]  }
0x2b: {  	s6 =	sld [smem:$0x3FA6]  }
0x2c: {  	s7 =	sld [smem:$0x3FA7]  }
0x2d: {  	s3 =	simm.s32 $0x108;
	s8 =	sld [smem:$0x3FA8]  }
0x2e: {  	s3 =	simm.s32 @!p0 $0x1082;
	s9 =	sld [smem:$0x3FA9]  }
0x2f: {  	lr =	sadd.s32 s0, s3;
	s0 =	sld [smem:$0x3FA0]  }
0x30: {  	s3 =	sld [smem:$0x3FA3]  }
0x31: {  	[smem:$0x3FAC] =	sst s10  }
0x32: {  	s10 =	sld [smem:$0x3FAA];
	_ =	sdelay $0x3  }
0x33: {  	p0 =	seq.s32 s10, $0x1;
	s10 =	sld [smem:$0x3FAC];
	_ =	sdelay $0x3  }
0x34: {  	[smem:$0x3FAC] =	sst s10  }
0x35: {  	s10 =	sld [smem:$0x3FAB];
	_ =	sdelay $0x3  }
0x36: {  	p1 =	seq.s32 s10, $0x1;
	s10 =	sld [smem:$0x3FAC];
	_ =	sdelay $0x3  }
0x37: {  	[smem:$0x3FAC] =	sst s10  }
0x38: {  	s10 =	sld [smem:$0x3FAD]  }
0x39: {  	_ = 	snop;
	(pc) =	sbr.ind lr, $3  }
0x3a: {  	_ = 	snop  }
0x3b: {  	_ = 	snop  }
0x3c: {  	p2 =	seq.s32 s10, $0x1;
	s10 =	sld [smem:$0x3FAC]  }
0x3d: {  	_ =	shalt  }
0x3e: {  	_ =	shalt  }
0x3f: {  	_ =	shalt  }
0x40: {  	_ =	shalt  }
0x41: {  	_ =	shalt  }
0x42: {  	_ =	shalt  }
0x43: {  	_ =	shalt  }
0x44: {  	_ =	shalt  }
0x45: {  	_ =	shalt  }
0x46: {  	_ =	shalt  }
0x47: {  	_ =	shalt  }
0x48: {  	_ =	shalt  }
0x49: {  	_ =	shalt  }
0x4a: {  	_ =	shalt  }
0x4b: {  	_ =	shalt  }
0x4c: {  	_ =	shalt  }
0x4d: {  	_ =	shalt  }
0x4e: {  	_ =	shalt  }
0x4f: {  	_ =	shalt  }
0x50: {  	_ =	shalt  }
0x51: {  	_ =	shalt  }
0x52: {  	_ =	shalt  }
0x53: {  	_ =	shalt  }
0x54: {  	_ =	shalt  }
0x55: {  	_ =	shalt  }
0x56: {  	_ =	shalt  }
0x57: {  	_ =	shalt  }
0x58: {  	_ =	shalt  }
0x59: {  	_ =	shalt  }
0x5a: {  	_ =	shalt  }
0x5b: {  	_ =	shalt  }
0x5c: {  	_ =	shalt  }
0x5d: {  	_ =	shalt  }
0x5e: {  	_ =	shalt  }
0x5f: {  	_ =	shalt  }
0x60: {  	_ =	shalt  }
0x61: {  	_ =	shalt  }
0x62: {  	_ =	shalt  }
0x63: {  	_ =	shalt  }
0x64: {  	_ =	shalt  }
0x65: {  	_ =	shalt  }
0x66: {  	_ =	shalt  }
0x67: {  	_ =	shalt  }
0x68: {  	_ =	shalt  }
0x69: {  	_ =	shalt  }
0x6a: {  	_ =	shalt  }
0x6b: {  	_ =	shalt  }
0x6c: {  	_ =	shalt  }
0x6d: {  	_ =	shalt  }
0x6e: {  	_ =	shalt  }
0x6f: {  	_ =	shalt  }
0x70: {  	_ =	shalt  }
0x71: {  	_ =	shalt  }
0x72: {  	_ =	shalt  }
0x73: {  	_ =	shalt  }
0x74: {  	_ =	shalt  }
0x75: {  	_ =	shalt  }
0x76: {  	_ =	shalt  }
0x77: {  	_ =	shalt  }
0x78: {  	_ =	shalt  }
0x79: {  	_ =	shalt  }
0x7a: {  	_ =	shalt  }
0x7b: {  	_ =	shalt  }
0x7c: {  	_ =	shalt  }
0x7d: {  	_ =	shalt  }
0x7e: {  	_ =	shalt  }
0x7f: {  	_ =	shalt  }
0x80: {  	_ =	shalt  }
0x81: {  	_ =	shalt  }
0x82: {  	_ =	shalt  }
0x83: {  	_ =	shalt  }
0x84: {  	_ =	shalt  }
0x85: {  	_ =	shalt  }
0x86: {  	_ =	shalt  }
0x87: {  	_ =	shalt  }
.Lfunc_end0:
.L_simem_size_0:
called_computation_lowered:
.L_overlay_start_0:
0x88: {  	s2 =	sld [smem:$0x3FD9]  }
0x89: {  	s3 =	sld [smem:$0x3FFE];
	_ =	sdelay $0x1  }
0x8a: {  	s1 =	srdreg.scid  }
0x8b: {  	s0 =	sand.u32 $0x1, s1  }
0x8c: {  	s14 =	sshll.u32 s0, $0xA;
	s2 =	sadd.s32 s3, s2  }
0x8d: {  	s2 =	sadd.s32 s2, s14  }
0x8e: {  	[smem:$0x3FB8] =	sst s2  }
0x8f: {  	_ = 	snop  }
0x90: {  	s2 =	sld [smem:$0x3FD0];
	_ =	sdelay $0x2  }
0x91: {  	s15 =	simm.s32 $0xA;
	s4 =	simm.s32 $0x10  }
0x92: {  	[smem:s4], [sflag:s15] =	dma.local [hbm:s2], $0x1  }
0x93: {  	_ =	swait.eq [sflag:s15], $0x1  }
0x94: {  	[sflag:s15] =	ssyncset.done $0x0  }
0x95: {  	[sflag:s15] =	ssyncadd.s32 $0xFFFFFFFF  }
0x96: {  	s16 =	sld [smem:$0x11];
	(tm) =	ssettm $0x1  }
0x97: {  	s17 =	sld [smem:$0x3FFB];
	_ =	sdelay $0x3  }
0x98: {  	_ =	strace s17  }
0x99: {  	s3 =	sld [smem:$0x3FFC];
	_ =	sdelay $0x3  }
0x9a: {  	_ =	strace s3  }
0x9b: {  	s3 =	sld [smem:$0x3FFD];
	_ =	sdelay $0x3  }
0x9c: {  	_ =	strace s3  }
0x9d: {  	_ =	strace $0x8FFFFFFF  }
0x9e: {  	s18 =	sld [smem:$0x3FDB];
	_ =	sdelay $0x1  }
0x9f: {  	s19 =	simm.s32 $_scs_section_size  }
0xa0: {  	s5 =	simm.s32 $_size__tile_overlayer_lowered;
	s6 =	simm.s32 $_tile_overlayer_lowered  }
0xa1: {  	s22 =	simm.s32 $0x1BFF;
	s21 =	sshll.u32 s6, $0x1;
	s3 =	sadd.s32 s19, s18  }
0xa2: {  	s7 =	simm.s32 $0x0;
	s20 =	sshll.u32 s5, $0x1;
	s5 =	sadd.s32 s21, s3  }
0xa3: {  	[timem:s7], [sflag:s22] =	dma.local [hbm:s5], s20  }
0xa4: {  	_ =	swait.ge [sflag:s22], s20  }
0xa5: {  	s4 =	ssub.s32 $0x0, s20;
	[sflag:s22] =	ssyncset.done $0x0  }
0xa6: {  	[sflag:s22] =	ssyncadd.s32 s4;
	_ =	sdelay $0x1  }
0xa7: {  	s23 =	simm.s32 $0x1B8B  }
0xa8: {  	_ =	swait.ge [sflag:s23], $0x1  }
0xa9: {  	[sflag:s23] =	ssyncset.done $0x0  }
0xaa: {  	s25 =	simm.s32 $0x1B8E;
	s24 =	sld [smem:$0x3FFE];
	[sflag:s23] =	ssyncadd.s32 $0xFFFFFFFF  }
0xab: {  	s26 =	simm.s32 $execute0_lowered;
	[smem:$0x3FD2] =	sst s25  }
0xac: {  	s5 =	sshll.u32 s26, $0x1;
	_ =	strace $0x80000046;
	[dreg:$0x1] =	wrdreg $0xFFFFFFFF  }
0xad: {  	s28 =	simm.s32 $_size_execute0_lowered;
	s3 =	sadd.s32 s3, s5;
	[dreg:$0x0] =	wrdreg $0x0  }
0xae: {  	s5 =	sshll.u32 s28, $0x1;
	[dreg:$0x2] =	wrdreg s3  }
0xaf: {  	[dreg:$0x3] =	wrdreg s5  }
0xb0: {  	[dreg:$0x4] =	wrdreg $0xC0  }
0xb1: {  	_ =	task [dreg:s7], $0x5FFFF  }
0xb2: {  	[dreg:$0x1] =	wrdreg $0xFFFFFFFF  }
0xb3: {  	[dreg:$0x0] =	wrdreg $0x60  }
0xb4: {  	[dreg:$0x2] =	wrdreg s16  }
0xb5: {  	[dreg:$0x3] =	wrdreg s24  }
0xb6: {  	[dreg:$0x4] =	wrdreg $0x9  }
0xb7: {  	_ =	task.clear_ibuf [dreg:s7], $0x5FFFF;
	_ =	strace $0x90000046  }
0xb8: {  	s29 =	simm.s32 $0x9;
	_ =	strace $0x80000048  }
0xb9: {  	_ =	swait.ge [sflag:s29], $0x1  }
0xba: {  	[sflag:s29] =	ssyncadd.s32 $0xFFFFFFFF  }
0xbb: {  	_ =	strace $0x90000048  }
0xbc: {  	_ =	sfence  }
0xbd: {  	s30 =	sld [smem:$0x0];
	_ =	sdelay $0x2  }
0xbe: {  	s31 =	sshll.u32 s1, $0xD;
	s1 =	sshrl.u32 s1, $0x2  }
0xbf: {  	s3 =	sand.u32 $0x4000, s31;
	s1 =	sadd.s32 s1, s30  }
0xc0: {  	s0 =	sor.u32 s3, s0;
	s1 =	sshll.u32 s1, $0x11  }
0xc1: {  	s0 =	sor.u32 s1, s0  }
0xc2: {  	s0 =	sadd.s32 $0x8F2B, s0  }
0xc3: {  	[sflag:s0] =	ssyncadd.remote.s32 $0x1  }
0xc4: {  	_ =	sfence.sel $0xFFFF  }
0xc5: {  	[dreg:$0x0] =	wrdreg $0xFFFFFFFF;
	(pc) =	sbr.abs _section_cstart, $3  }
0xc6: {  	[dreg:$0x1] =	wrdreg $0xFFFFFFFF  }
0xc7: {  	_ =	task.clear_ibuf [dreg:s7], $0x2FFFF;
	_ =	strace $0x9FFFFFFF  }
0xc8: {  	(tm) =	ssettm $0x7FFFFFFF  }
0xc9: {  	_ =	shalt  }
tec
execute0_lowered:
.L_overlay_start_1:
0x0: {  	(tag) =	ssettag $0x1  }
0x1: {  	s1 =	rddreg [dreg:$0x0]  }
0x2: {  	s0 =	rddreg [dreg:$0x1];
	s2 =	simm.s32 $0x0;
	s3 =	srdreg.scid  }
0x3: {  	s13 =	stileid.u32;
	s14 =	simm.s32 $0x80;
	s15 =	simm.s32 $0x200  }
0x4: {  	s18 =	simm.s32 $0x8200;
	s20 =	simm.s32 $0xC200;
	s21 =	simm.s32 $0x1  }
0x5: {  	s22 =	simm.s32 $0x2;
	s23 =	simm.s32 $0x0;
	[smem:$0x7FF] =	sst s2  }
0x6: {  	s4 =	sadd.s32 $0x1F000, s0;
	s10 =	sadd.s32 $0xB600, s0;
	s3 =	sand.u32 $0x1, s3  }
0x7: {  	s12 =	sadd.s32 $0x46200, s0;
	s9 =	sshll.u32 s13, $0x1;
	s0 =	sadd.s32 $0x528200, s0  }
0x8: {  	s11 =	sshll.u32 s13, $0x7;
	s13 =	sshll.u32 s13, $0xD;
	_ =	strace $0x80000047  }
0x9: {  	s5 =	ssub.s32 $0x2, s3;
	s7 =	sor.u32 s3, s9;
	s9 =	sor.u32 $0x20, s9  }
0xa: {  	s30 =	sshll.u32 s3, $0x6;
	s3 =	sshll.u32 s3, $0xC;
	s31 =	sadd.s32 s13, s12  }
0xb: {  	s6 =	sshrl.u32 s5, $0x1;
	s29 =	sshll.u32 s7, $0x6;
	s8 =	sshll.u32 s7, $0xC  }
0xc: {  	s5 =	ssub.s32 s5, s6;
	s6 =	sadd.s32 s10, s29;
	s7 =	sadd.s32 s12, s8  }
0xd: {  	s8 =	sadd.s32 s0, s8;
	s10 =	sadd.s32 s11, s10;
	s0 =	sadd.s32 s13, s0  }
0xe: {  	s12 =	sadd.s32 s3, s31;
	s13 =	simm.s32 $0x3;
	s10 =	sadd.s32 s30, s10  }
0xf: {  	s5 =	smax.u32 s5, $0x1;
	s11 =	sadd.s32 s3, s0;
	s10 =	sadd.s32 $0x800, s10  }
.LBB2_1:
0x10: {  	[tilespmem:s2], [sflag:$0x3] =	stream.linear.gather [hbm4b:s6+s2], $0x200, $0x38;
	[tilespmem:$0x10200] =	vst v63  }
0x11: {  	_ =	swait.ge [sflag:s13], $0x200  }
0x12: {  	[sflag:s13] =	ssyncset.done $0x0  }
0x13: {  	[sflag:s13] =	ssyncadd.s32 $0xFFFFFE00  }
0x14: {  	[tilespmem:s15], [sflag:$0x1] =	stream.indirect.gather [hbm4b:s1+s14], $0x80, s2, s14, $0xb8;
	[tilespmem:$0x10200] =	vst v63  }
0x15: {  	s0 =	simm.s32 $0x4200  }
0x16: {  	[tilespmem:s0], [sflag:$0x1] =	stream.indirect.gather [hbm4b:s1+s14], $0x80, s14, s14, $0xb8;
	[tilespmem:$0x10200] =	vst v63  }
0x17: {  	s26 =	simm.s32 $0x100  }
0x18: {  	[tilespmem:s18], [sflag:$0x1] =	stream.indirect.gather [hbm4b:s4+s14], $0x80, s26, s14, $0xb8;
	[tilespmem:$0x10200] =	vst v63  }
0x19: {  	s30 =	simm.s32 $0x180  }
0x1a: {  	[tilespmem:s20], [sflag:$0x1] =	stream.indirect.gather [hbm4b:s4+s14], $0x80, s30, s14, $0xb8;
	[tilespmem:$0x10200] =	vst v63  }
0x1b: {  	_ =	swait.ge [sflag:s21], $0x4000  }
0x1c: {  	[sflag:s21] =	ssyncset.done $0x0  }
0x1d: {  	[sflag:s21] =	ssyncadd.s32 $0xFFFFC000  }
0x1e: {  	_ =	swait.ge [sflag:s21], $0x4000  }
0x1f: {  	[sflag:s21] =	ssyncset.done $0x0  }
0x20: {  	[sflag:s21] =	ssyncadd.s32 $0xFFFFC000  }
0x21: {  	[hbm4b:s7+s2] =	stream.linear.scatter [tilespmem:s15], [sflag:$0x2], $0x8000, $0x38;
	[tilespmem:$0x10200] =	vst v63  }
0x22: {  	_ =	swait.ge [sflag:s21], $0x4000  }
0x23: {  	[sflag:s21] =	ssyncset.done $0x0  }
0x24: {  	[sflag:s21] =	ssyncadd.s32 $0xFFFFC000  }
0x25: {  	_ =	swait.ge [sflag:s21], $0x4000  }
0x26: {  	p0 =	sgt.u32 s9, $0x4E1;
	[sflag:s21] =	ssyncset.done $0x0  }
0x27: {  	s0 =	simm.s32 @!p0 $0x2;
	[sflag:s21] =	ssyncadd.s32 $0xFFFFC000  }
0x28: {  	[hbm4b:s8+s2] =	stream.linear.scatter [tilespmem:s18], [sflag:$0x2], $0x8000, $0x38;
	[tilespmem:$0x10200] =	vst v63  }
0x29: {  	_ =	swait.ge @!p0 [sflag:s0], $0x8000;
	p0 =	por p0, p0  }
0x2a: {  	[sflag:s0] =	ssyncset.done @!p0 $0x0  }
0x2b: {  	[sflag:s0] =	ssyncadd.s32 @!p0 $0xFFFF8000  }
0x2c: {  	_ =	swait.ge @!p0 [sflag:s0], $0x8000  }
0x2d: {  	[sflag:s0] =	ssyncset.done @!p0 $0x0  }
0x2e: {  	s25 =	simm.s32 @!p0 $0x0;
	[sflag:s0] =	ssyncadd.s32 @!p0 $0xFFFF8000;
	s0 =	simm.s32 @!p0 $0x3  }
0x2f: {  	[tilespmem:s25], [sflag:$0x3] =	stream.linear.gather @!p0 [hbm4b:s10+s25], $0x200, $0x38;
	[tilespmem:$0x10200] =	vst v63  }
0x30: {  	_ =	swait.ge @!p0 [sflag:s0], $0x200  }
0x31: {  	[sflag:s0] =	ssyncset.done @!p0 $0x0  }
0x32: {  	s3 =	simm.s32 @!p0 $0x80;
	s24 =	simm.s32 @!p0 $0x200;
	[sflag:s0] =	ssyncadd.s32 @!p0 $0xFFFFFE00  }
0x33: {  	[tilespmem:s24], [sflag:$0x1] =	stream.indirect.gather @!p0 [hbm4b:s1+s3], $0x80, s25, s3, $0xb8;
	[tilespmem:$0x10200] =	vst v63  }
0x34: {  	s0 =	simm.s32 @!p0 $0x4200  }
0x35: {  	[tilespmem:s0], [sflag:$0x1] =	stream.indirect.gather @!p0 [hbm4b:s1+s3], $0x80, s3, s3, $0xb8;
	[tilespmem:$0x10200] =	vst v63  }
0x36: {  	s31 =	simm.s32 @!p0 $0x8200;
	s0 =	simm.s32 @!p0 $0x100  }
0x37: {  	[tilespmem:s31], [sflag:$0x1] =	stream.indirect.gather @!p0 [hbm4b:s4+s3], $0x80, s0, s3, $0xb8;
	[tilespmem:$0x10200] =	vst v63  }
0x38: {  	s26 =	simm.s32 @!p0 $0x180;
	s28 =	simm.s32 @!p0 $0xC200;
	s0 =	simm.s32 @!p0 $0x1  }
0x39: {  	[tilespmem:s28], [sflag:$0x1] =	stream.indirect.gather @!p0 [hbm4b:s4+s3], $0x80, s26, s3, $0xb8;
	[tilespmem:$0x10200] =	vst v63  }
0x3a: {  	_ =	swait.ge @!p0 [sflag:s0], $0x4000  }
0x3b: {  	[sflag:s0] =	ssyncset.done @!p0 $0x0  }
0x3c: {  	[sflag:s0] =	ssyncadd.s32 @!p0 $0xFFFFC000  }
0x3d: {  	_ =	swait.ge @!p0 [sflag:s0], $0x4000  }
0x3e: {  	[sflag:s0] =	ssyncset.done @!p0 $0x0  }
0x3f: {  	s3 =	sadd.s32 @!p0 $0x20000, s12;
	[sflag:s0] =	ssyncadd.s32 @!p0 $0xFFFFC000  }
0x40: {  	[hbm4b:s3+s25] =	stream.linear.scatter @!p0 [tilespmem:s24], [sflag:$0x2], $0x8000, $0x38;
	[tilespmem:$0x10200] =	vst v63  }
0x41: {  	_ =	swait.ge @!p0 [sflag:s0], $0x4000  }
0x42: {  	s29 =	sadd.s32 $0x20, s9;
	[sflag:s0] =	ssyncset.done @!p0 $0x0  }
0x43: {  	p2 =	sgt.u32 s29, $0x4E1;
	[sflag:s0] =	ssyncadd.s32 @!p0 $0xFFFFC000  }
0x44: {  	s28 =	simm.s32 $0x60000;
	s26 =	sadd.s32 $0x800, s10;
	_ =	swait.ge @!p0 [sflag:s0], $0x4000  }
0x45: {  	s24 =	simm.s32 $0x40000;
	s3 =	sadd.s32 @!p0 $0x20000, s11;
	[sflag:s0] =	ssyncset.done @!p0 $0x0  }
.LBB2_2:
0x46: {  	s16 =	simm.s32 @!p2 $0x2;
	[sflag:s0] =	ssyncadd.s32 @!p0 $0xFFFFC000  }
0x47: {  	s30 =	smov.u32 s24;
	s24 =	smov.u32 s28;
	s28 =	sadd.s32 $0x20000, s28  }
0x48: {  	[hbm4b:s3+s25] =	stream.linear.scatter @!p0 [tilespmem:s31], [sflag:$0x2], $0x8000, $0x38;
	[tilespmem:$0x10200] =	vst v63  }
0x49: {  	p1 =	sne.s32 s28, $0x500000;
	p0 =	por p2, p2;
	_ =	swait.ge @!p2 [sflag:s16], $0x8000  }
0x4a: {  	[sflag:s16] =	ssyncset.done @!p0 $0x0  }
0x4b: {  	[sflag:s16] =	ssyncadd.s32 @!p0 $0xFFFF8000  }
0x4c: {  	_ =	swait.ge @!p0 [sflag:s16], $0x8000  }
0x4d: {  	[sflag:s16] =	ssyncset.done @!p0 $0x0  }
0x4e: {  	s25 =	simm.s32 @!p0 $0x0;
	s0 =	simm.s32 @!p0 $0x3;
	[sflag:s16] =	ssyncadd.s32 @!p0 $0xFFFF8000  }
0x4f: {  	[tilespmem:s25], [sflag:$0x3] =	stream.linear.gather @!p0 [hbm4b:s26+s25], $0x200, $0x38;
	[tilespmem:$0x10200] =	vst v63  }
0x50: {  	_ =	swait.ge @!p0 [sflag:s0], $0x200  }
0x51: {  	[sflag:s0] =	ssyncset.done @!p0 $0x0  }
0x52: {  	s3 =	simm.s32 @!p0 $0x80;
	s16 =	simm.s32 @!p0 $0x200;
	[sflag:s0] =	ssyncadd.s32 @!p0 $0xFFFFFE00  }
0x53: {  	[tilespmem:s16], [sflag:$0x1] =	stream.indirect.gather @!p0 [hbm4b:s1+s3], $0x80, s25, s3, $0xb8;
	[tilespmem:$0x10200] =	vst v63  }
0x54: {  	s0 =	simm.s32 @!p0 $0x4200  }
0x55: {  	[tilespmem:s0], [sflag:$0x1] =	stream.indirect.gather @!p0 [hbm4b:s1+s3], $0x80, s3, s3, $0xb8;
	[tilespmem:$0x10200] =	vst v63  }
0x56: {  	s31 =	simm.s32 @!p0 $0x8200;
	s0 =	simm.s32 @!p0 $0x100  }
0x57: {  	[tilespmem:s31], [sflag:$0x1] =	stream.indirect.gather @!p0 [hbm4b:s4+s3], $0x80, s0, s3, $0xb8;
	[tilespmem:$0x10200] =	vst v63  }
0x58: {  	s17 =	simm.s32 @!p0 $0x180;
	s19 =	simm.s32 @!p0 $0xC200;
	s0 =	simm.s32 @!p0 $0x1  }
0x59: {  	[tilespmem:s19], [sflag:$0x1] =	stream.indirect.gather @!p0 [hbm4b:s4+s3], $0x80, s17, s3, $0xb8;
	[tilespmem:$0x10200] =	vst v63  }
0x5a: {  	_ =	swait.ge @!p0 [sflag:s0], $0x4000  }
0x5b: {  	[sflag:s0] =	ssyncset.done @!p0 $0x0  }
0x5c: {  	[sflag:s0] =	ssyncadd.s32 @!p0 $0xFFFFC000  }
0x5d: {  	_ =	swait.ge @!p0 [sflag:s0], $0x4000  }
0x5e: {  	[sflag:s0] =	ssyncset.done @!p0 $0x0  }
0x5f: {  	s3 =	sadd.s32 @!p0 s30, s12;
	[sflag:s0] =	ssyncadd.s32 @!p0 $0xFFFFC000  }
0x60: {  	[hbm4b:s3+s25] =	stream.linear.scatter @!p0 [tilespmem:s16], [sflag:$0x2], $0x8000, $0x38;
	[tilespmem:$0x10200] =	vst v63  }
.Ltmp0:
0x61: {  	_ =	swait.ge @!p0 [sflag:s0], $0x4000;
	(pc) =	sbr.rel @p1 .LBB2_2-.Ltmp0, $4  }
0x62: {  	[sflag:s0] =	ssyncset.done @!p0 $0x0  }
0x63: {  	[sflag:s0] =	ssyncadd.s32 @!p0 $0xFFFFC000  }
0x64: {  	s29 =	sadd.s32 $0x20, s29;
	s26 =	sadd.s32 $0x800, s26;
	_ =	swait.ge @!p0 [sflag:s0], $0x4000  }
0x65: {  	p2 =	sgt.u32 s29, $0x4E1;
	s3 =	sadd.s32 @!p0 s30, s11;
	[sflag:s0] =	ssyncset.done @!p0 $0x0  }
0x66: {  	s16 =	simm.s32 @!p2 $0x2;
	[sflag:s0] =	ssyncadd.s32 @!p0 $0xFFFFC000  }
0x67: {  	[hbm4b:s3+s25] =	stream.linear.scatter @!p0 [tilespmem:s31], [sflag:$0x2], $0x8000, $0x38;
	[tilespmem:$0x10200] =	vst v63  }
0x68: {  	p0 =	por p2, p2;
	_ =	swait.ge @!p2 [sflag:s16], $0x8000  }
0x69: {  	[sflag:s16] =	ssyncset.done @!p0 $0x0  }
0x6a: {  	[sflag:s16] =	ssyncadd.s32 @!p0 $0xFFFF8000  }
0x6b: {  	_ =	swait.ge @!p0 [sflag:s16], $0x8000  }
0x6c: {  	[sflag:s16] =	ssyncset.done @!p0 $0x0  }
0x6d: {  	s0 =	simm.s32 @!p0 $0x0;
	s3 =	simm.s32 @!p0 $0x3;
	[sflag:s16] =	ssyncadd.s32 @!p0 $0xFFFF8000  }
0x6e: {  	[tilespmem:s0], [sflag:$0x3] =	stream.linear.gather @!p0 [hbm4b:s26+s0], $0x200, $0x38;
	[tilespmem:$0x10200] =	vst v63  }
0x6f: {  	_ =	swait.ge @!p0 [sflag:s3], $0x200  }
0x70: {  	[sflag:s3] =	ssyncset.done @!p0 $0x0  }
0x71: {  	s16 =	simm.s32 @!p0 $0x200;
	[sflag:s3] =	ssyncadd.s32 @!p0 $0xFFFFFE00;
	s3 =	simm.s32 @!p0 $0x80  }
0x72: {  	[tilespmem:s16], [sflag:$0x1] =	stream.indirect.gather @!p0 [hbm4b:s1+s3], $0x80, s0, s3, $0xb8;
	[tilespmem:$0x10200] =	vst v63  }
0x73: {  	s17 =	simm.s32 @!p0 $0x4200  }
0x74: {  	[tilespmem:s17], [sflag:$0x1] =	stream.indirect.gather @!p0 [hbm4b:s1+s3], $0x80, s3, s3, $0xb8;
	[tilespmem:$0x10200] =	vst v63  }
0x75: {  	s19 =	simm.s32 @!p0 $0x8200;
	s17 =	simm.s32 @!p0 $0x100  }
0x76: {  	[tilespmem:s19], [sflag:$0x1] =	stream.indirect.gather @!p0 [hbm4b:s4+s3], $0x80, s17, s3, $0xb8;
	[tilespmem:$0x10200] =	vst v63  }
0x77: {  	s25 =	simm.s32 @!p0 $0xC200;
	s26 =	simm.s32 @!p0 $0x1;
	s17 =	simm.s32 @!p0 $0x180  }
0x78: {  	[tilespmem:s25], [sflag:$0x1] =	stream.indirect.gather @!p0 [hbm4b:s4+s3], $0x80, s17, s3, $0xb8;
	[tilespmem:$0x10200] =	vst v63  }
0x79: {  	_ =	swait.ge @!p0 [sflag:s26], $0x4000  }
0x7a: {  	[sflag:s26] =	ssyncset.done @!p0 $0x0  }
0x7b: {  	[sflag:s26] =	ssyncadd.s32 @!p0 $0xFFFFC000  }
0x7c: {  	_ =	swait.ge @!p0 [sflag:s26], $0x4000  }
0x7d: {  	[sflag:s26] =	ssyncset.done @!p0 $0x0  }
0x7e: {  	s3 =	sadd.s32 @!p0 s24, s12;
	[sflag:s26] =	ssyncadd.s32 @!p0 $0xFFFFC000  }
0x7f: {  	[hbm4b:s3+s0] =	stream.linear.scatter @!p0 [tilespmem:s16], [sflag:$0x2], $0x8000, $0x38;
	[tilespmem:$0x10200] =	vst v63  }
0x80: {  	_ =	swait.ge @!p0 [sflag:s26], $0x4000  }
0x81: {  	[sflag:s26] =	ssyncset.done @!p0 $0x0  }
0x82: {  	[sflag:s26] =	ssyncadd.s32 @!p0 $0xFFFFC000  }
0x83: {  	_ =	swait.ge @!p0 [sflag:s26], $0x4000  }
0x84: {  	[sflag:s26] =	ssyncset.done @!p0 $0x0  }
0x85: {  	s23 =	sadd.s32 $0x1, s23;
	s3 =	sadd.s32 @!p0 s24, s11;
	[sflag:s26] =	ssyncadd.s32 @!p0 $0xFFFFC000  }
0x86: {  	[hbm4b:s3+s0] =	stream.linear.scatter @!p0 [tilespmem:s19], [sflag:$0x2], $0x8000, $0x38;
	[tilespmem:$0x10200] =	vst v63  }
0x87: {  	p0 =	sne.s32 s23, s5;
	_ =	swait.ge [sflag:s22], $0x8000  }
.Ltmp1:
0x88: {  	[sflag:s22] =	ssyncset.done $0x0;
	(pc) =	sbr.rel @p0 .LBB2_1-.Ltmp1, $4  }
0x89: {  	[sflag:s22] =	ssyncadd.s32 $0xFFFF8000  }
0x8a: {  	_ =	swait.ge [sflag:s22], $0x8000  }
0x8b: {  	[sflag:s22] =	ssyncset.done $0x0  }
0x8c: {  	[sflag:s22] =	ssyncadd.s32 $0xFFFF8000  }
0x8d: {  	_ =	sfence.sel $0x180000  }
0x8e: {  	[bflag:$0x0] =	sbarrier.arrive $0xFFFF  }
0x8f: {  	_ =	strace $0x90000047  }
0x90: {  	s0 =	stileid.u32;
	[bflag:$0x2] =	sbarrier.arrive $0xFFFF  }
0x91: {  	p0 =	sne.s32 s0, $0x0;
	s0 =	rddreg [dreg:$0x2]  }
0x92: {  	s0 =	sadd.s32 @!p0 $0x100000, s0  }
0x93: {  	[sflag:s0] =	ssyncadd.tile.s32 @!p0 $0x1;
	_ =	shalt  }
.Lfunc_end2:
_tile_overlayer_lowered:
.L_overlay_start_2:
0x94: {  	(tag) =	ssettag $0x2  }
0x95: {  	s0 =	rddreg [dreg:$0x0];
	s2 =	stileid.u32  }
0x96: {  	s1 =	rddreg [dreg:$0x1];
	p0 =	sne.s32 s2, $0x0  }
0x97: {  	s3 =	rddreg [dreg:$0x2];
	[bflag:$0x3] =	sbarrier.arrive $0xFFFF;
	s2 =	simm.s32 @!p0 $0x1C03  }
0x98: {  	[timem:s3], [sflag:s2] =	dma.local @!p0 [hbm:s0], s1  }
0x99: {  	s0 =	simm.s32 @!p0 $0x3  }
0x9a: {  	_ =	swait.ge @!p0 [sflag:s0], s1  }
0x9b: {  	s1 =	ssub.s32 @!p0 $0x0, s1;
	[sflag:s0] =	ssyncset.done @!p0 $0x0  }
0x9c: {  	[sflag:s0] =	ssyncadd.s32 @!p0 s1  }
0x9d: {  	[bflag:$0x3] =	sbarrier.arrive $0xFFFF  }
0x9e: {  	_ =	shalt  }

</sc_bundles>
